<compile_context>
chip_gen: v7x
topology: tpu7x:2x2x1
jax: 0.10.2.dev20260603
libtpu: 0.0.44.dev20260713+nightly
codegen_flags: <defaults>
</compile_context>

<pallas_src>
import functools

import jax
import jax.numpy as jnp
from jax import lax
from jax.experimental import pallas as pl
from jax.experimental.pallas import tpu as pltpu
from jax.experimental.pallas import tpu_sc as plsc

N = 10000
E = 320000
D = 128
R = 8

NC = 2
NS = 16
NW = NC * NS
LANES = 16

CPT = D // NW
ROWS = 2 * N
CH = 3200
NCHUNK = E // CH
RP = 16


def _sc_body(nin_hbm, rall_hbm, meta_hbm, norm_hbm, out_hbm,
             nin, rall, metab, normb, acc):
    c = lax.axis_index("c")
    s = lax.axis_index("s")
    tid = c * NS + s

    pltpu.sync_copy(nin_hbm.at[pl.ds(tid * CPT * N, CPT * N)], nin)
    pltpu.sync_copy(rall_hbm.at[pl.ds(tid * CPT * RP, CPT * RP)], rall)

    zero = jnp.zeros((LANES,), jnp.float32)

    def z_body(i, carry):
        acc[pl.ds(i * LANES, LANES)] = zero
        return carry
    lax.fori_loop(0, CPT * ROWS // LANES, z_body, 0)

    def c_body(ch, carry):
        pltpu.sync_copy(meta_hbm.at[pl.ds(ch * 2 * CH, 2 * CH)], metab)
        pltpu.sync_copy(norm_hbm.at[pl.ds(ch * CH, CH)], normb)

        def g_body(g, carry2):
            for u in range(4):
                off = (g * 4 + u) * LANES
                sl = pl.ds(off, LANES)
                ps_v = metab[sl]
                src_v = ps_v & 16383
                ret_v = (ps_v >> 14) & 15
                sidx_v = metab[pl.ds(CH + off, LANES)]
                norm_v = normb[sl]
                for col in range(CPT):
                    nin_v = plsc.load_gather(nin, [src_v + col * N])
                    ral_v = plsc.load_gather(rall, [ret_v + col * RP])
                    val = nin_v * ral_v * norm_v
                    plsc.addupdate_scatter(acc, [sidx_v + col * ROWS], val)
            return carry2
        lax.fori_loop(0, CH // LANES // 4, g_body, 0)
        return carry
    lax.fori_loop(0, NCHUNK, c_body, 0)

    pltpu.sync_copy(acc, out_hbm.at[pl.ds(tid * CPT * ROWS, CPT * ROWS)])


@functools.partial(
    pl.kernel,
    out_type=jax.ShapeDtypeStruct((D * ROWS,), jnp.float32),
    mesh=plsc.VectorSubcoreMesh(core_axis_name="c", subcore_axis_name="s"),
    compiler_params=pltpu.CompilerParams(needs_layout_passes=False),
    scratch_types=[
        pltpu.VMEM((CPT * N,), jnp.float32),
        pltpu.VMEM((CPT * RP,), jnp.float32),
        pltpu.VMEM((2 * CH,), jnp.int32),
        pltpu.VMEM((CH,), jnp.float32),
        pltpu.VMEM((CPT * ROWS,), jnp.float32),
    ],
)
def _sc_edge_kernel(nin_hbm, rall_hbm, meta_hbm, norm_hbm, out_hbm,
                    nin, rall, metab, normb, acc):
    _sc_body(nin_hbm, rall_hbm, meta_hbm, norm_hbm, out_hbm,
             nin, rall, metab, normb, acc)


def _final_body(x_ref, ai_ref, ao_ref, wit_ref, wot_ref, wst_ref, loop_ref,
                rf_ref, wrt_ref, o_ref, r_ref):
    i = pl.program_id(0)
    xs = x_ref[...] * loop_ref[...]
    acc = jnp.dot(xs, wst_ref[...], preferred_element_type=jnp.float32)
    acc += jnp.dot(ai_ref[...], wit_ref[...], preferred_element_type=jnp.float32)
    acc += jnp.dot(ao_ref[...], wot_ref[...], preferred_element_type=jnp.float32)
    o_ref[...] = jnp.tanh(acc * (1.0 / 3.0))

    @pl.when(i == 0)
    def _():
        r_ref[...] = jnp.dot(rf_ref[...], wrt_ref[...],
                             preferred_element_type=jnp.float32)


def _final(n_in_feats, a_t, wi_t, wo_t, ws_t, loop_rel, r_feats, wr_t):
    bn = 1000
    nb = N // bn
    return pl.pallas_call(
        _final_body,
        grid=(nb,),
        in_specs=[
            pl.BlockSpec((bn, D), lambda i: (i, 0)),
            pl.BlockSpec((bn, D), lambda i: (i, 0)),
            pl.BlockSpec((bn, D), lambda i: (nb + i, 0)),
            pl.BlockSpec((D, D), lambda i: (0, 0)),
            pl.BlockSpec((D, D), lambda i: (0, 0)),
            pl.BlockSpec((D, D), lambda i: (0, 0)),
            pl.BlockSpec((1, D), lambda i: (0, 0)),
            pl.BlockSpec((R, D), lambda i: (0, 0)),
            pl.BlockSpec((D, D), lambda i: (0, 0)),
        ],
        out_specs=[
            pl.BlockSpec((bn, D), lambda i: (i, 0)),
            pl.BlockSpec((R, D), lambda i: (0, 0)),
        ],
        out_shape=[
            jax.ShapeDtypeStruct((N, D), jnp.float32),
            jax.ShapeDtypeStruct((R, D), jnp.float32),
        ],
    )(n_in_feats, a_t, a_t, wi_t, wo_t, ws_t, loop_rel, r_feats, wr_t)


def kernel(n_in_feats, r_feats, edge_index, etype, norm, out_edges_mask,
           W_O, W_I, W_S, W_R, loop_rel):
    r_all = jnp.concatenate([r_feats, loop_rel], axis=0)
    nin_t = n_in_feats.T.reshape(-1)
    rall_t = jnp.pad(r_all.T, ((0, 0), (0, RP - (R + 1)))).reshape(-1)

    src = edge_index[0]
    dst = edge_index[1]
    ps = src | (etype << 14)
    sidx = out_edges_mask * N + dst
    meta = jnp.stack([ps.reshape(NCHUNK, CH), sidx.reshape(NCHUNK, CH)],
                     axis=1).reshape(-1)
    norm_e = norm[:, 0]

    flat = _sc_edge_kernel(nin_t, rall_t, meta, norm_e)
    a_t = flat.reshape(D, ROWS).T

    n_out, r_out = _final(n_in_feats, a_t, W_I.T, W_O.T, W_S.T, loop_rel,
                          r_feats, W_R.T)
    return n_out, r_out

# --- scband reference (transcript-rebuilt; emitter-appended) ---
"""Pipeline reference for scband-feature-conv-29025388987144 (READ-ONLY COPY).

The authoritative reference and input builder live on the scoring server;
editing this copy changes nothing except your own understanding.
"""

import jax, jax.numpy as jnp
import numpy as np

N = 10000
E = 320000
D = 128
R = 8


def setup_inputs(seed: int = 0) -> dict:
    key = jax.random.key(seed)
    ks = jax.random.split(key, 12)
    n_in_feats = jax.random.normal(ks[0], (N, D), dtype=jnp.float32)
    r_feats = jax.random.normal(ks[1], (R, D), dtype=jnp.float32)
    edge_index = jax.random.randint(ks[2], (2, E), 0, N, dtype=jnp.int32)
    etype = jax.random.randint(ks[3], (E,), 0, R, dtype=jnp.int32)
    norm = jax.random.uniform(ks[4], (E, 1), dtype=jnp.float32)
    out_edges_mask = jax.random.randint(ks[5], (E,), 0, 2, dtype=jnp.int32)
    # learned parameters (nn.Linear weights have shape [out, in]; y = x @ W.T)
    W_O = jax.random.normal(ks[6], (D, D), dtype=jnp.float32) * 0.05
    W_I = jax.random.normal(ks[7], (D, D), dtype=jnp.float32) * 0.05
    W_S = jax.random.normal(ks[8], (D, D), dtype=jnp.float32) * 0.05
    W_R = jax.random.normal(ks[9], (D, D), dtype=jnp.float32) * 0.05
    loop_rel = jax.random.normal(ks[10], (1, D), dtype=jnp.float32) * 0.1
    return {
        "n_in_feats": n_in_feats,
        "r_feats": r_feats,
        "edge_index": edge_index,
        "etype": etype,
        "norm": norm,
        "out_edges_mask": out_edges_mask,
        "W_O": W_O,
        "W_I": W_I,
        "W_S": W_S,
        "W_R": W_R,
        "loop_rel": loop_rel,
    }


def reference(
    n_in_feats,
    r_feats,
    edge_index,
    etype,
    norm,
    out_edges_mask,
    W_O,
    W_I,
    W_S,
    W_R,
    loop_rel,
):
    # r_feats = cat(r_feats, loop_rel); edge feature = r_all[etype] * norm
    r_all = jnp.concatenate([r_feats, loop_rel], axis=0)  # [R+1, D]
    edge_h = jnp.take(r_all, etype, axis=0) * norm  # [E, D]
    src = edge_index[0]
    dst = edge_index[1]
    # comp_fn == 'mul': u_mul_e -> src feature * edge feature
    comp_h = jnp.take(n_in_feats, src, axis=0) * edge_h  # [E, D]
    # W_O on out-edges, W_I on in-edges (masks are complementary)
    comp_h_O = comp_h @ W_O.T
    comp_h_I = comp_h @ W_I.T
    mask = (out_edges_mask == 1)[:, None]
    new_comp_h = jnp.where(mask, comp_h_O, comp_h_I)  # [E, D]
    # update_all(copy_e, sum) -> scatter-add messages to dst nodes
    comp_edge = jax.ops.segment_sum(new_comp_h, dst, num_segments=N)  # [N, D]
    # self-loop composition: n_in_feats * loop_rel
    comp_h_s = n_in_feats * r_all[-1]
    # dropout p=0.0 -> identity
    n_out_feats = (comp_h_s @ W_S.T + comp_edge) * (1.0 / 3.0)
    n_out_feats = jnp.tanh(n_out_feats)
    r_out_feats = r_all @ W_R.T
    return n_out_feats, r_out_feats[:-1]

if __name__ == "__main__":
    import jax
    _d = setup_inputs()
    print(jax.jit(kernel)(*tuple(_d.values())))

</pallas_src>

<mosaic_0001>
#map = affine_map<(d0, d1) -> (0)>
module attributes {stable_mosaic.version = 14 : i64} {
  func.func @_sc_edge_kernel(%arg0: i32, %arg1: i32, %arg2: memref<1280000xf32, #tpu.memory_space<hbm>>, %arg3: memref<2048xf32, #tpu.memory_space<hbm>>, %arg4: memref<640000xi32, #tpu.memory_space<hbm>>, %arg5: memref<320000xf32, #tpu.memory_space<hbm>>, %arg6: memref<2560000xf32, #tpu.memory_space<hbm>>, %arg7: memref<40000xf32, #tpu.memory_space<vmem>>, %arg8: memref<64xf32, #tpu.memory_space<vmem>>, %arg9: memref<6400xi32, #tpu.memory_space<vmem>>, %arg10: memref<3200xf32, #tpu.memory_space<vmem>>, %arg11: memref<80000xf32, #tpu.memory_space<vmem>>) attributes {dimension_semantics = [#tpu.dimension_semantics<core_parallel>, #tpu.dimension_semantics<subcore_parallel>], iteration_bounds = array<i64: 2, 16>, scalar_prefetch = 0 : i64, scratch_operands = 5 : i64, tpu.core_type = #tpu.core_type<sc_vector_subcore>, window_params = [{transform_indices = #map}, {transform_indices = #map}, {transform_indices = #map}, {transform_indices = #map}, {transform_indices = #map}]} {
    %mul3A = arith.constant 16 : i32
    %mul3A_0 = arith.muli %arg0, %mul3A : i32
    %add3A = arith.addi %mul3A_0, %arg1 : i32
    %mul3A_1 = arith.constant 4 : i32
    %mul3A_2 = arith.muli %add3A, %mul3A_1 : i32
    %mul3A_3 = arith.constant 10000 : i32
    %mul3A_4 = arith.muli %mul3A_2, %mul3A_3 : i32
    "tpu.region"() ({
      %run_scoped3A = tpu.sem_alloc : memref<!tpu.dma_semaphore, #tpu.memory_space<semaphore_mem>>
      %dma_start3A = tpu.memref_slice %arg2[%mul3A_4] : memref<1280000xf32, #tpu.memory_space<hbm>> -> memref<40000xf32, #tpu.memory_space<hbm>>
      %dma_start3A_25 = tpu.memref_slice %arg2[%mul3A_4] : memref<1280000xf32, #tpu.memory_space<hbm>> -> memref<40000xf32, #tpu.memory_space<hbm>>
      tpu.enqueue_dma source(%dma_start3A_25 : memref<40000xf32, #tpu.memory_space<hbm>>) target(%arg7 : memref<40000xf32, #tpu.memory_space<vmem>>) target_semaphore(%run_scoped3A : memref<!tpu.dma_semaphore, #tpu.memory_space<semaphore_mem>>)
      %dma_wait3A = tpu.memref_slice %arg2[%mul3A_4] : memref<1280000xf32, #tpu.memory_space<hbm>> -> memref<40000xf32, #tpu.memory_space<hbm>>
      %dma_wait3A_26 = tpu.memref_slice %arg2[%mul3A_4] : memref<1280000xf32, #tpu.memory_space<hbm>> -> memref<40000xf32, #tpu.memory_space<hbm>>
      tpu.wait_dma2 semaphore(%run_scoped3A : memref<!tpu.dma_semaphore, #tpu.memory_space<semaphore_mem>>) src(%dma_wait3A_26 : memref<40000xf32, #tpu.memory_space<hbm>>) dst(%arg7 : memref<40000xf32, #tpu.memory_space<vmem>>)
      tpu.yield
    }) : () -> ()
    %mul3A_5 = arith.constant 4 : i32
    %mul3A_6 = arith.muli %add3A, %mul3A_5 : i32
    %mul3A_7 = arith.constant 16 : i32
    %mul3A_8 = arith.muli %mul3A_6, %mul3A_7 : i32
    "tpu.region"() ({
      %run_scoped3A = tpu.sem_alloc : memref<!tpu.dma_semaphore, #tpu.memory_space<semaphore_mem>>
      %dma_start3A = tpu.memref_slice %arg3[%mul3A_8] : memref<2048xf32, #tpu.memory_space<hbm>> -> memref<64xf32, #tpu.memory_space<hbm>>
      %dma_start3A_25 = tpu.memref_slice %arg3[%mul3A_8] : memref<2048xf32, #tpu.memory_space<hbm>> -> memref<64xf32, #tpu.memory_space<hbm>>
      tpu.enqueue_dma source(%dma_start3A_25 : memref<64xf32, #tpu.memory_space<hbm>>) target(%arg8 : memref<64xf32, #tpu.memory_space<vmem>>) target_semaphore(%run_scoped3A : memref<!tpu.dma_semaphore, #tpu.memory_space<semaphore_mem>>)
      %dma_wait3A = tpu.memref_slice %arg3[%mul3A_8] : memref<2048xf32, #tpu.memory_space<hbm>> -> memref<64xf32, #tpu.memory_space<hbm>>
      %dma_wait3A_26 = tpu.memref_slice %arg3[%mul3A_8] : memref<2048xf32, #tpu.memory_space<hbm>> -> memref<64xf32, #tpu.memory_space<hbm>>
      tpu.wait_dma2 semaphore(%run_scoped3A : memref<!tpu.dma_semaphore, #tpu.memory_space<semaphore_mem>>) src(%dma_wait3A_26 : memref<64xf32, #tpu.memory_space<hbm>>) dst(%arg8 : memref<64xf32, #tpu.memory_space<vmem>>)
      tpu.yield
    }) : () -> ()
    %broadcast_in_dim3A = arith.constant 0.000000e+00 : f32
    %broadcast_in_dim3A_9 = vector.broadcast %broadcast_in_dim3A : f32 to vector<16xf32>
    %scan3A = arith.constant 0 : i32
    %scan3A_10 = arith.constant 0 : i32
    %scan3A_11 = arith.constant 5000 : i32
    %scan3A_12 = arith.addi %scan3A_10, %scan3A_11 : i32
    %scan3A_13 = arith.constant 1 : i32
    scf.for %scan3A_25 = %scan3A_10 to %scan3A_12 step %scan3A_13  : i32 {
      %mul3A_26 = arith.constant 16 : i32
      %mul3A_27 = arith.muli %scan3A_25, %mul3A_26 : i32
      %swap3A = arith.index_cast %mul3A_27 : i32 to index
      %swap3A_28 = tpu.vector_load %arg11[%swap3A] {strides = array<i32>} : memref<80000xf32, #tpu.memory_space<vmem>>, vector<16xf32>,
      tpu.vector_store %arg11[%swap3A], %broadcast_in_dim3A_9 {strides = array<i32>} : memref<80000xf32, #tpu.memory_space<vmem>>, vector<16xf32>,
    }
    %scan3A_14 = arith.constant 5000 : i32
    %scan3A_15 = arith.constant 0 : i32
    %scan3A_16 = arith.constant 0 : i32
    %scan3A_17 = arith.constant 100 : i32
    %scan3A_18 = arith.addi %scan3A_16, %scan3A_17 : i32
    %scan3A_19 = arith.constant 1 : i32
    scf.for %scan3A_25 = %scan3A_16 to %scan3A_18 step %scan3A_19  : i32 {
      %mul3A_26 = arith.constant 2 : i32
      %mul3A_27 = arith.muli %scan3A_25, %mul3A_26 : i32
      %mul3A_28 = arith.constant 3200 : i32
      %mul3A_29 = arith.muli %mul3A_27, %mul3A_28 : i32
      "tpu.region"() ({
        %run_scoped3A = tpu.sem_alloc : memref<!tpu.dma_semaphore, #tpu.memory_space<semaphore_mem>>
        %dma_start3A = tpu.memref_slice %arg4[%mul3A_29] : memref<640000xi32, #tpu.memory_space<hbm>> -> memref<6400xi32, #tpu.memory_space<hbm>>
        %dma_start3A_38 = tpu.memref_slice %arg4[%mul3A_29] : memref<640000xi32, #tpu.memory_space<hbm>> -> memref<6400xi32, #tpu.memory_space<hbm>>
        tpu.enqueue_dma source(%dma_start3A_38 : memref<6400xi32, #tpu.memory_space<hbm>>) target(%arg9 : memref<6400xi32, #tpu.memory_space<vmem>>) target_semaphore(%run_scoped3A : memref<!tpu.dma_semaphore, #tpu.memory_space<semaphore_mem>>)
        %dma_wait3A = tpu.memref_slice %arg4[%mul3A_29] : memref<640000xi32, #tpu.memory_space<hbm>> -> memref<6400xi32, #tpu.memory_space<hbm>>
        %dma_wait3A_39 = tpu.memref_slice %arg4[%mul3A_29] : memref<640000xi32, #tpu.memory_space<hbm>> -> memref<6400xi32, #tpu.memory_space<hbm>>
        tpu.wait_dma2 semaphore(%run_scoped3A : memref<!tpu.dma_semaphore, #tpu.memory_space<semaphore_mem>>) src(%dma_wait3A_39 : memref<6400xi32, #tpu.memory_space<hbm>>) dst(%arg9 : memref<6400xi32, #tpu.memory_space<vmem>>)
        tpu.yield
      }) : () -> ()
      %mul3A_30 = arith.constant 3200 : i32
      %mul3A_31 = arith.muli %scan3A_25, %mul3A_30 : i32
      "tpu.region"() ({
        %run_scoped3A = tpu.sem_alloc : memref<!tpu.dma_semaphore, #tpu.memory_space<semaphore_mem>>
        %dma_start3A = tpu.memref_slice %arg5[%mul3A_31] : memref<320000xf32, #tpu.memory_space<hbm>> -> memref<3200xf32, #tpu.memory_space<hbm>>
        %dma_start3A_38 = tpu.memref_slice %arg5[%mul3A_31] : memref<320000xf32, #tpu.memory_space<hbm>> -> memref<3200xf32, #tpu.memory_space<hbm>>
        tpu.enqueue_dma source(%dma_start3A_38 : memref<3200xf32, #tpu.memory_space<hbm>>) target(%arg10 : memref<3200xf32, #tpu.memory_space<vmem>>) target_semaphore(%run_scoped3A : memref<!tpu.dma_semaphore, #tpu.memory_space<semaphore_mem>>)
        %dma_wait3A = tpu.memref_slice %arg5[%mul3A_31] : memref<320000xf32, #tpu.memory_space<hbm>> -> memref<3200xf32, #tpu.memory_space<hbm>>
        %dma_wait3A_39 = tpu.memref_slice %arg5[%mul3A_31] : memref<320000xf32, #tpu.memory_space<hbm>> -> memref<3200xf32, #tpu.memory_space<hbm>>
        tpu.wait_dma2 semaphore(%run_scoped3A : memref<!tpu.dma_semaphore, #tpu.memory_space<semaphore_mem>>) src(%dma_wait3A_39 : memref<3200xf32, #tpu.memory_space<hbm>>) dst(%arg10 : memref<3200xf32, #tpu.memory_space<vmem>>)
        tpu.yield
      }) : () -> ()
      %scan3A_32 = arith.constant 0 : i32
      %scan3A_33 = arith.constant 0 : i32
      %scan3A_34 = arith.constant 50 : i32
      %scan3A_35 = arith.addi %scan3A_33, %scan3A_34 : i32
      %scan3A_36 = arith.constant 1 : i32
      scf.for %scan3A_38 = %scan3A_33 to %scan3A_35 step %scan3A_36  : i32 {
        %mul3A_39 = arith.constant 4 : i32
        %mul3A_40 = arith.muli %scan3A_38, %mul3A_39 : i32
        %add3A_41 = arith.constant 0 : i32
        %add3A_42 = arith.addi %mul3A_40, %add3A_41 : i32
        %mul3A_43 = arith.constant 16 : i32
        %mul3A_44 = arith.muli %add3A_42, %mul3A_43 : i32
        %get3A = arith.index_cast %mul3A_44 : i32 to index
        %get3A_45 = tpu.vector_load %arg9[%get3A] {strides = array<i32>} : memref<6400xi32, #tpu.memory_space<vmem>>, vector<16xi32>,
        %and3A = arith.constant 16383 : i32
        %and3A_46 = vector.broadcast %and3A : i32 to vector<16xi32>
        %and3A_47 = arith.andi %get3A_45, %and3A_46 : vector<16xi32>
        %shift_right_arithmetic3A = arith.constant 14 : i32
        %shift_right_arithmetic3A_48 = vector.broadcast %shift_right_arithmetic3A : i32 to vector<16xi32>
        %shift_right_arithmetic3A_49 = arith.shrsi %get3A_45, %shift_right_arithmetic3A_48 : vector<16xi32>
        %and3A_50 = arith.constant 15 : i32
        %and3A_51 = vector.broadcast %and3A_50 : i32 to vector<16xi32>
        %and3A_52 = arith.andi %shift_right_arithmetic3A_49, %and3A_51 : vector<16xi32>
        %add3A_53 = arith.constant 3200 : i32
        %add3A_54 = arith.addi %add3A_53, %mul3A_44 : i32
        %get3A_55 = arith.index_cast %add3A_54 : i32 to index
        %get3A_56 = tpu.vector_load %arg9[%get3A_55] {strides = array<i32>} : memref<6400xi32, #tpu.memory_space<vmem>>, vector<16xi32>,
        %get3A_57 = arith.index_cast %mul3A_44 : i32 to index
        %get3A_58 = tpu.vector_load %arg10[%get3A_57] {strides = array<i32>} : memref<3200xf32, #tpu.memory_space<vmem>>, vector<16xf32>,
        %add3A_59 = arith.constant 0 : i32
        %add3A_60 = vector.broadcast %add3A_59 : i32 to vector<16xi32>
        %add3A_61 = arith.addi %and3A_47, %add3A_60 : vector<16xi32>
        %gather3A = tpu.vector_load_idx %arg7[%add3A_61] : memref<40000xf32, #tpu.memory_space<vmem>>[vector<16xi32>], vector<16xf32>,
        %add3A_62 = arith.constant 0 : i32
        %add3A_63 = vector.broadcast %add3A_62 : i32 to vector<16xi32>
        %add3A_64 = arith.addi %and3A_52, %add3A_63 : vector<16xi32>
        %gather3A_65 = tpu.vector_load_idx %arg8[%add3A_64] : memref<64xf32, #tpu.memory_space<vmem>>[vector<16xi32>], vector<16xf32>,
        %mul3A_66 = arith.mulf %gather3A, %gather3A_65 : vector<16xf32>
        %mul3A_67 = arith.mulf %mul3A_66, %get3A_58 : vector<16xf32>
        %add3A_68 = arith.constant 0 : i32
        %add3A_69 = vector.broadcast %add3A_68 : i32 to vector<16xi32>
        %add3A_70 = arith.addi %get3A_56, %add3A_69 : vector<16xi32>
        tpu.vector_store_idx %arg11[%add3A_70], %mul3A_67 {add = true} : memref<80000xf32, #tpu.memory_space<vmem>>[vector<16xi32>], vector<16xf32>,
        %add3A_71 = arith.constant 10000 : i32
        %add3A_72 = vector.broadcast %add3A_71 : i32 to vector<16xi32>
        %add3A_73 = arith.addi %and3A_47, %add3A_72 : vector<16xi32>
        %gather3A_74 = tpu.vector_load_idx %arg7[%add3A_73] : memref<40000xf32, #tpu.memory_space<vmem>>[vector<16xi32>], vector<16xf32>,
        %add3A_75 = arith.constant 16 : i32
        %add3A_76 = vector.broadcast %add3A_75 : i32 to vector<16xi32>
        %add3A_77 = arith.addi %and3A_52, %add3A_76 : vector<16xi32>
        %gather3A_78 = tpu.vector_load_idx %arg8[%add3A_77] : memref<64xf32, #tpu.memory_space<vmem>>[vector<16xi32>], vector<16xf32>,
        %mul3A_79 = arith.mulf %gather3A_74, %gather3A_78 : vector<16xf32>
        %mul3A_80 = arith.mulf %mul3A_79, %get3A_58 : vector<16xf32>
        %add3A_81 = arith.constant 20000 : i32
        %add3A_82 = vector.broadcast %add3A_81 : i32 to vector<16xi32>
        %add3A_83 = arith.addi %get3A_56, %add3A_82 : vector<16xi32>
        tpu.vector_store_idx %arg11[%add3A_83], %mul3A_80 {add = true} : memref<80000xf32, #tpu.memory_space<vmem>>[vector<16xi32>], vector<16xf32>,
        %add3A_84 = arith.constant 20000 : i32
        %add3A_85 = vector.broadcast %add3A_84 : i32 to vector<16xi32>
        %add3A_86 = arith.addi %and3A_47, %add3A_85 : vector<16xi32>
        %gather3A_87 = tpu.vector_load_idx %arg7[%add3A_86] : memref<40000xf32, #tpu.memory_space<vmem>>[vector<16xi32>], vector<16xf32>,
        %add3A_88 = arith.constant 32 : i32
        %add3A_89 = vector.broadcast %add3A_88 : i32 to vector<16xi32>
        %add3A_90 = arith.addi %and3A_52, %add3A_89 : vector<16xi32>
        %gather3A_91 = tpu.vector_load_idx %arg8[%add3A_90] : memref<64xf32, #tpu.memory_space<vmem>>[vector<16xi32>], vector<16xf32>,
        %mul3A_92 = arith.mulf %gather3A_87, %gather3A_91 : vector<16xf32>
        %mul3A_93 = arith.mulf %mul3A_92, %get3A_58 : vector<16xf32>
        %add3A_94 = arith.constant 40000 : i32
        %add3A_95 = vector.broadcast %add3A_94 : i32 to vector<16xi32>
        %add3A_96 = arith.addi %get3A_56, %add3A_95 : vector<16xi32>
        tpu.vector_store_idx %arg11[%add3A_96], %mul3A_93 {add = true} : memref<80000xf32, #tpu.memory_space<vmem>>[vector<16xi32>], vector<16xf32>,
        %add3A_97 = arith.constant 30000 : i32
        %add3A_98 = vector.broadcast %add3A_97 : i32 to vector<16xi32>
        %add3A_99 = arith.addi %and3A_47, %add3A_98 : vector<16xi32>
        %gather3A_100 = tpu.vector_load_idx %arg7[%add3A_99] : memref<40000xf32, #tpu.memory_space<vmem>>[vector<16xi32>], vector<16xf32>,
        %add3A_101 = arith.constant 48 : i32
        %add3A_102 = vector.broadcast %add3A_101 : i32 to vector<16xi32>
        %add3A_103 = arith.addi %and3A_52, %add3A_102 : vector<16xi32>
        %gather3A_104 = tpu.vector_load_idx %arg8[%add3A_103] : memref<64xf32, #tpu.memory_space<vmem>>[vector<16xi32>], vector<16xf32>,
        %mul3A_105 = arith.mulf %gather3A_100, %gather3A_104 : vector<16xf32>
        %mul3A_106 = arith.mulf %mul3A_105, %get3A_58 : vector<16xf32>
        %add3A_107 = arith.constant 60000 : i32
        %add3A_108 = vector.broadcast %add3A_107 : i32 to vector<16xi32>
        %add3A_109 = arith.addi %get3A_56, %add3A_108 : vector<16xi32>
        tpu.vector_store_idx %arg11[%add3A_109], %mul3A_106 {add = true} : memref<80000xf32, #tpu.memory_space<vmem>>[vector<16xi32>], vector<16xf32>,
        %mul3A_110 = arith.constant 4 : i32
        %mul3A_111 = arith.muli %scan3A_38, %mul3A_110 : i32
        %add3A_112 = arith.constant 1 : i32
        %add3A_113 = arith.addi %mul3A_111, %add3A_112 : i32
        %mul3A_114 = arith.constant 16 : i32
        %mul3A_115 = arith.muli %add3A_113, %mul3A_114 : i32
        %get3A_116 = arith.index_cast %mul3A_115 : i32 to index
        %get3A_117 = tpu.vector_load %arg9[%get3A_116] {strides = array<i32>} : memref<6400xi32, #tpu.memory_space<vmem>>, vector<16xi32>,
        %and3A_118 = arith.constant 16383 : i32
        %and3A_119 = vector.broadcast %and3A_118 : i32 to vector<16xi32>
        %and3A_120 = arith.andi %get3A_117, %and3A_119 : vector<16xi32>
        %shift_right_arithmetic3A_121 = arith.constant 14 : i32
        %shift_right_arithmetic3A_122 = vector.broadcast %shift_right_arithmetic3A_121 : i32 to vector<16xi32>
        %shift_right_arithmetic3A_123 = arith.shrsi %get3A_117, %shift_right_arithmetic3A_122 : vector<16xi32>
        %and3A_124 = arith.constant 15 : i32
        %and3A_125 = vector.broadcast %and3A_124 : i32 to vector<16xi32>
        %and3A_126 = arith.andi %shift_right_arithmetic3A_123, %and3A_125 : vector<16xi32>
        %add3A_127 = arith.constant 3200 : i32
        %add3A_128 = arith.addi %add3A_127, %mul3A_115 : i32
        %get3A_129 = arith.index_cast %add3A_128 : i32 to index
        %get3A_130 = tpu.vector_load %arg9[%get3A_129] {strides = array<i32>} : memref<6400xi32, #tpu.memory_space<vmem>>, vector<16xi32>,
        %get3A_131 = arith.index_cast %mul3A_115 : i32 to index
        %get3A_132 = tpu.vector_load %arg10[%get3A_131] {strides = array<i32>} : memref<3200xf32, #tpu.memory_space<vmem>>, vector<16xf32>,
        %add3A_133 = arith.constant 0 : i32
        %add3A_134 = vector.broadcast %add3A_133 : i32 to vector<16xi32>
        %add3A_135 = arith.addi %and3A_120, %add3A_134 : vector<16xi32>
        %gather3A_136 = tpu.vector_load_idx %arg7[%add3A_135] : memref<40000xf32, #tpu.memory_space<vmem>>[vector<16xi32>], vector<16xf32>,
        %add3A_137 = arith.constant 0 : i32
        %add3A_138 = vector.broadcast %add3A_137 : i32 to vector<16xi32>
        %add3A_139 = arith.addi %and3A_126, %add3A_138 : vector<16xi32>
        %gather3A_140 = tpu.vector_load_idx %arg8[%add3A_139] : memref<64xf32, #tpu.memory_space<vmem>>[vector<16xi32>], vector<16xf32>,
        %mul3A_141 = arith.mulf %gather3A_136, %gather3A_140 : vector<16xf32>
        %mul3A_142 = arith.mulf %mul3A_141, %get3A_132 : vector<16xf32>
        %add3A_143 = arith.constant 0 : i32
        %add3A_144 = vector.broadcast %add3A_143 : i32 to vector<16xi32>
        %add3A_145 = arith.addi %get3A_130, %add3A_144 : vector<16xi32>
        tpu.vector_store_idx %arg11[%add3A_145], %mul3A_142 {add = true} : memref<80000xf32, #tpu.memory_space<vmem>>[vector<16xi32>], vector<16xf32>,
        %add3A_146 = arith.constant 10000 : i32
        %add3A_147 = vector.broadcast %add3A_146 : i32 to vector<16xi32>
        %add3A_148 = arith.addi %and3A_120, %add3A_147 : vector<16xi32>
        %gather3A_149 = tpu.vector_load_idx %arg7[%add3A_148] : memref<40000xf32, #tpu.memory_space<vmem>>[vector<16xi32>], vector<16xf32>,
        %add3A_150 = arith.constant 16 : i32
        %add3A_151 = vector.broadcast %add3A_150 : i32 to vector<16xi32>
        %add3A_152 = arith.addi %and3A_126, %add3A_151 : vector<16xi32>
        %gather3A_153 = tpu.vector_load_idx %arg8[%add3A_152] : memref<64xf32, #tpu.memory_space<vmem>>[vector<16xi32>], vector<16xf32>,
        %mul3A_154 = arith.mulf %gather3A_149, %gather3A_153 : vector<16xf32>
        %mul3A_155 = arith.mulf %mul3A_154, %get3A_132 : vector<16xf32>
        %add3A_156 = arith.constant 20000 : i32
        %add3A_157 = vector.broadcast %add3A_156 : i32 to vector<16xi32>
        %add3A_158 = arith.addi %get3A_130, %add3A_157 : vector<16xi32>
        tpu.vector_store_idx %arg11[%add3A_158], %mul3A_155 {add = true} : memref<80000xf32, #tpu.memory_space<vmem>>[vector<16xi32>], vector<16xf32>,
        %add3A_159 = arith.constant 20000 : i32
        %add3A_160 = vector.broadcast %add3A_159 : i32 to vector<16xi32>
        %add3A_161 = arith.addi %and3A_120, %add3A_160 : vector<16xi32>
        %gather3A_162 = tpu.vector_load_idx %arg7[%add3A_161] : memref<40000xf32, #tpu.memory_space<vmem>>[vector<16xi32>], vector<16xf32>,
        %add3A_163 = arith.constant 32 : i32
        %add3A_164 = vector.broadcast %add3A_163 : i32 to vector<16xi32>
        %add3A_165 = arith.addi %and3A_126, %add3A_164 : vector<16xi32>
        %gather3A_166 = tpu.vector_load_idx %arg8[%add3A_165] : memref<64xf32, #tpu.memory_space<vmem>>[vector<16xi32>], vector<16xf32>,
        %mul3A_167 = arith.mulf %gather3A_162, %gather3A_166 : vector<16xf32>
        %mul3A_168 = arith.mulf %mul3A_167, %get3A_132 : vector<16xf32>
        %add3A_169 = arith.constant 40000 : i32
        %add3A_170 = vector.broadcast %add3A_169 : i32 to vector<16xi32>
        %add3A_171 = arith.addi %get3A_130, %add3A_170 : vector<16xi32>
        tpu.vector_store_idx %arg11[%add3A_171], %mul3A_168 {add = true} : memref<80000xf32, #tpu.memory_space<vmem>>[vector<16xi32>], vector<16xf32>,
        %add3A_172 = arith.constant 30000 : i32
        %add3A_173 = vector.broadcast %add3A_172 : i32 to vector<16xi32>
        %add3A_174 = arith.addi %and3A_120, %add3A_173 : vector<16xi32>
        %gather3A_175 = tpu.vector_load_idx %arg7[%add3A_174] : memref<40000xf32, #tpu.memory_space<vmem>>[vector<16xi32>], vector<16xf32>,
        %add3A_176 = arith.constant 48 : i32
        %add3A_177 = vector.broadcast %add3A_176 : i32 to vector<16xi32>
        %add3A_178 = arith.addi %and3A_126, %add3A_177 : vector<16xi32>
        %gather3A_179 = tpu.vector_load_idx %arg8[%add3A_178] : memref<64xf32, #tpu.memory_space<vmem>>[vector<16xi32>], vector<16xf32>,
        %mul3A_180 = arith.mulf %gather3A_175, %gather3A_179 : vector<16xf32>
        %mul3A_181 = arith.mulf %mul3A_180, %get3A_132 : vector<16xf32>
        %add3A_182 = arith.constant 60000 : i32
        %add3A_183 = vector.broadcast %add3A_182 : i32 to vector<16xi32>
        %add3A_184 = arith.addi %get3A_130, %add3A_183 : vector<16xi32>
        tpu.vector_store_idx %arg11[%add3A_184], %mul3A_181 {add = true} : memref<80000xf32, #tpu.memory_space<vmem>>[vector<16xi32>], vector<16xf32>,
        %mul3A_185 = arith.constant 4 : i32
        %mul3A_186 = arith.muli %scan3A_38, %mul3A_185 : i32
        %add3A_187 = arith.constant 2 : i32
        %add3A_188 = arith.addi %mul3A_186, %add3A_187 : i32
        %mul3A_189 = arith.constant 16 : i32
        %mul3A_190 = arith.muli %add3A_188, %mul3A_189 : i32
        %get3A_191 = arith.index_cast %mul3A_190 : i32 to index
        %get3A_192 = tpu.vector_load %arg9[%get3A_191] {strides = array<i32>} : memref<6400xi32, #tpu.memory_space<vmem>>, vector<16xi32>,
        %and3A_193 = arith.constant 16383 : i32
        %and3A_194 = vector.broadcast %and3A_193 : i32 to vector<16xi32>
        %and3A_195 = arith.andi %get3A_192, %and3A_194 : vector<16xi32>
        %shift_right_arithmetic3A_196 = arith.constant 14 : i32
        %shift_right_arithmetic3A_197 = vector.broadcast %shift_right_arithmetic3A_196 : i32 to vector<16xi32>
        %shift_right_arithmetic3A_198 = arith.shrsi %get3A_192, %shift_right_arithmetic3A_197 : vector<16xi32>
        %and3A_199 = arith.constant 15 : i32
        %and3A_200 = vector.broadcast %and3A_199 : i32 to vector<16xi32>
        %and3A_201 = arith.andi %shift_right_arithmetic3A_198, %and3A_200 : vector<16xi32>
        %add3A_202 = arith.constant 3200 : i32
        %add3A_203 = arith.addi %add3A_202, %mul3A_190 : i32
        %get3A_204 = arith.index_cast %add3A_203 : i32 to index
        %get3A_205 = tpu.vector_load %arg9[%get3A_204] {strides = array<i32>} : memref<6400xi32, #tpu.memory_space<vmem>>, vector<16xi32>,
        %get3A_206 = arith.index_cast %mul3A_190 : i32 to index
        %get3A_207 = tpu.vector_load %arg10[%get3A_206] {strides = array<i32>} : memref<3200xf32, #tpu.memory_space<vmem>>, vector<16xf32>,
        %add3A_208 = arith.constant 0 : i32
        %add3A_209 = vector.broadcast %add3A_208 : i32 to vector<16xi32>
        %add3A_210 = arith.addi %and3A_195, %add3A_209 : vector<16xi32>
        %gather3A_211 = tpu.vector_load_idx %arg7[%add3A_210] : memref<40000xf32, #tpu.memory_space<vmem>>[vector<16xi32>], vector<16xf32>,
        %add3A_212 = arith.constant 0 : i32
        %add3A_213 = vector.broadcast %add3A_212 : i32 to vector<16xi32>
        %add3A_214 = arith.addi %and3A_201, %add3A_213 : vector<16xi32>
        %gather3A_215 = tpu.vector_load_idx %arg8[%add3A_214] : memref<64xf32, #tpu.memory_space<vmem>>[vector<16xi32>], vector<16xf32>,
        %mul3A_216 = arith.mulf %gather3A_211, %gather3A_215 : vector<16xf32>
        %mul3A_217 = arith.mulf %mul3A_216, %get3A_207 : vector<16xf32>
        %add3A_218 = arith.constant 0 : i32
        %add3A_219 = vector.broadcast %add3A_218 : i32 to vector<16xi32>
        %add3A_220 = arith.addi %get3A_205, %add3A_219 : vector<16xi32>
        tpu.vector_store_idx %arg11[%add3A_220], %mul3A_217 {add = true} : memref<80000xf32, #tpu.memory_space<vmem>>[vector<16xi32>], vector<16xf32>,
        %add3A_221 = arith.constant 10000 : i32
        %add3A_222 = vector.broadcast %add3A_221 : i32 to vector<16xi32>
        %add3A_223 = arith.addi %and3A_195, %add3A_222 : vector<16xi32>
        %gather3A_224 = tpu.vector_load_idx %arg7[%add3A_223] : memref<40000xf32, #tpu.memory_space<vmem>>[vector<16xi32>], vector<16xf32>,
        %add3A_225 = arith.constant 16 : i32
        %add3A_226 = vector.broadcast %add3A_225 : i32 to vector<16xi32>
        %add3A_227 = arith.addi %and3A_201, %add3A_226 : vector<16xi32>
        %gather3A_228 = tpu.vector_load_idx %arg8[%add3A_227] : memref<64xf32, #tpu.memory_space<vmem>>[vector<16xi32>], vector<16xf32>,
        %mul3A_229 = arith.mulf %gather3A_224, %gather3A_228 : vector<16xf32>
        %mul3A_230 = arith.mulf %mul3A_229, %get3A_207 : vector<16xf32>
        %add3A_231 = arith.constant 20000 : i32
        %add3A_232 = vector.broadcast %add3A_231 : i32 to vector<16xi32>
        %add3A_233 = arith.addi %get3A_205, %add3A_232 : vector<16xi32>
        tpu.vector_store_idx %arg11[%add3A_233], %mul3A_230 {add = true} : memref<80000xf32, #tpu.memory_space<vmem>>[vector<16xi32>], vector<16xf32>,
        %add3A_234 = arith.constant 20000 : i32
        %add3A_235 = vector.broadcast %add3A_234 : i32 to vector<16xi32>
        %add3A_236 = arith.addi %and3A_195, %add3A_235 : vector<16xi32>
        %gather3A_237 = tpu.vector_load_idx %arg7[%add3A_236] : memref<40000xf32, #tpu.memory_space<vmem>>[vector<16xi32>], vector<16xf32>,
        %add3A_238 = arith.constant 32 : i32
        %add3A_239 = vector.broadcast %add3A_238 : i32 to vector<16xi32>
        %add3A_240 = arith.addi %and3A_201, %add3A_239 : vector<16xi32>
        %gather3A_241 = tpu.vector_load_idx %arg8[%add3A_240] : memref<64xf32, #tpu.memory_space<vmem>>[vector<16xi32>], vector<16xf32>,
        %mul3A_242 = arith.mulf %gather3A_237, %gather3A_241 : vector<16xf32>
        %mul3A_243 = arith.mulf %mul3A_242, %get3A_207 : vector<16xf32>
        %add3A_244 = arith.constant 40000 : i32
        %add3A_245 = vector.broadcast %add3A_244 : i32 to vector<16xi32>
        %add3A_246 = arith.addi %get3A_205, %add3A_245 : vector<16xi32>
        tpu.vector_store_idx %arg11[%add3A_246], %mul3A_243 {add = true} : memref<80000xf32, #tpu.memory_space<vmem>>[vector<16xi32>], vector<16xf32>,
        %add3A_247 = arith.constant 30000 : i32
        %add3A_248 = vector.broadcast %add3A_247 : i32 to vector<16xi32>
        %add3A_249 = arith.addi %and3A_195, %add3A_248 : vector<16xi32>
        %gather3A_250 = tpu.vector_load_idx %arg7[%add3A_249] : memref<40000xf32, #tpu.memory_space<vmem>>[vector<16xi32>], vector<16xf32>,
        %add3A_251 = arith.constant 48 : i32
        %add3A_252 = vector.broadcast %add3A_251 : i32 to vector<16xi32>
        %add3A_253 = arith.addi %and3A_201, %add3A_252 : vector<16xi32>
        %gather3A_254 = tpu.vector_load_idx %arg8[%add3A_253] : memref<64xf32, #tpu.memory_space<vmem>>[vector<16xi32>], vector<16xf32>,
        %mul3A_255 = arith.mulf %gather3A_250, %gather3A_254 : vector<16xf32>
        %mul3A_256 = arith.mulf %mul3A_255, %get3A_207 : vector<16xf32>
        %add3A_257 = arith.constant 60000 : i32
        %add3A_258 = vector.broadcast %add3A_257 : i32 to vector<16xi32>
        %add3A_259 = arith.addi %get3A_205, %add3A_258 : vector<16xi32>
        tpu.vector_store_idx %arg11[%add3A_259], %mul3A_256 {add = true} : memref<80000xf32, #tpu.memory_space<vmem>>[vector<16xi32>], vector<16xf32>,
        %mul3A_260 = arith.constant 4 : i32
        %mul3A_261 = arith.muli %scan3A_38, %mul3A_260 : i32
        %add3A_262 = arith.constant 3 : i32
        %add3A_263 = arith.addi %mul3A_261, %add3A_262 : i32
        %mul3A_264 = arith.constant 16 : i32
        %mul3A_265 = arith.muli %add3A_263, %mul3A_264 : i32
        %get3A_266 = arith.index_cast %mul3A_265 : i32 to index
        %get3A_267 = tpu.vector_load %arg9[%get3A_266] {strides = array<i32>} : memref<6400xi32, #tpu.memory_space<vmem>>, vector<16xi32>,
        %and3A_268 = arith.constant 16383 : i32
        %and3A_269 = vector.broadcast %and3A_268 : i32 to vector<16xi32>
        %and3A_270 = arith.andi %get3A_267, %and3A_269 : vector<16xi32>
        %shift_right_arithmetic3A_271 = arith.constant 14 : i32
        %shift_right_arithmetic3A_272 = vector.broadcast %shift_right_arithmetic3A_271 : i32 to vector<16xi32>
        %shift_right_arithmetic3A_273 = arith.shrsi %get3A_267, %shift_right_arithmetic3A_272 : vector<16xi32>
        %and3A_274 = arith.constant 15 : i32
        %and3A_275 = vector.broadcast %and3A_274 : i32 to vector<16xi32>
        %and3A_276 = arith.andi %shift_right_arithmetic3A_273, %and3A_275 : vector<16xi32>
        %add3A_277 = arith.constant 3200 : i32
        %add3A_278 = arith.addi %add3A_277, %mul3A_265 : i32
        %get3A_279 = arith.index_cast %add3A_278 : i32 to index
        %get3A_280 = tpu.vector_load %arg9[%get3A_279] {strides = array<i32>} : memref<6400xi32, #tpu.memory_space<vmem>>, vector<16xi32>,
        %get3A_281 = arith.index_cast %mul3A_265 : i32 to index
        %get3A_282 = tpu.vector_load %arg10[%get3A_281] {strides = array<i32>} : memref<3200xf32, #tpu.memory_space<vmem>>, vector<16xf32>,
        %add3A_283 = arith.constant 0 : i32
        %add3A_284 = vector.broadcast %add3A_283 : i32 to vector<16xi32>
        %add3A_285 = arith.addi %and3A_270, %add3A_284 : vector<16xi32>
        %gather3A_286 = tpu.vector_load_idx %arg7[%add3A_285] : memref<40000xf32, #tpu.memory_space<vmem>>[vector<16xi32>], vector<16xf32>,
        %add3A_287 = arith.constant 0 : i32
        %add3A_288 = vector.broadcast %add3A_287 : i32 to vector<16xi32>
        %add3A_289 = arith.addi %and3A_276, %add3A_288 : vector<16xi32>
        %gather3A_290 = tpu.vector_load_idx %arg8[%add3A_289] : memref<64xf32, #tpu.memory_space<vmem>>[vector<16xi32>], vector<16xf32>,
        %mul3A_291 = arith.mulf %gather3A_286, %gather3A_290 : vector<16xf32>
        %mul3A_292 = arith.mulf %mul3A_291, %get3A_282 : vector<16xf32>
        %add3A_293 = arith.constant 0 : i32
        %add3A_294 = vector.broadcast %add3A_293 : i32 to vector<16xi32>
        %add3A_295 = arith.addi %get3A_280, %add3A_294 : vector<16xi32>
        tpu.vector_store_idx %arg11[%add3A_295], %mul3A_292 {add = true} : memref<80000xf32, #tpu.memory_space<vmem>>[vector<16xi32>], vector<16xf32>,
        %add3A_296 = arith.constant 10000 : i32
        %add3A_297 = vector.broadcast %add3A_296 : i32 to vector<16xi32>
        %add3A_298 = arith.addi %and3A_270, %add3A_297 : vector<16xi32>
        %gather3A_299 = tpu.vector_load_idx %arg7[%add3A_298] : memref<40000xf32, #tpu.memory_space<vmem>>[vector<16xi32>], vector<16xf32>,
        %add3A_300 = arith.constant 16 : i32
        %add3A_301 = vector.broadcast %add3A_300 : i32 to vector<16xi32>
        %add3A_302 = arith.addi %and3A_276, %add3A_301 : vector<16xi32>
        %gather3A_303 = tpu.vector_load_idx %arg8[%add3A_302] : memref<64xf32, #tpu.memory_space<vmem>>[vector<16xi32>], vector<16xf32>,
        %mul3A_304 = arith.mulf %gather3A_299, %gather3A_303 : vector<16xf32>
        %mul3A_305 = arith.mulf %mul3A_304, %get3A_282 : vector<16xf32>
        %add3A_306 = arith.constant 20000 : i32
        %add3A_307 = vector.broadcast %add3A_306 : i32 to vector<16xi32>
        %add3A_308 = arith.addi %get3A_280, %add3A_307 : vector<16xi32>
        tpu.vector_store_idx %arg11[%add3A_308], %mul3A_305 {add = true} : memref<80000xf32, #tpu.memory_space<vmem>>[vector<16xi32>], vector<16xf32>,
        %add3A_309 = arith.constant 20000 : i32
        %add3A_310 = vector.broadcast %add3A_309 : i32 to vector<16xi32>
        %add3A_311 = arith.addi %and3A_270, %add3A_310 : vector<16xi32>
        %gather3A_312 = tpu.vector_load_idx %arg7[%add3A_311] : memref<40000xf32, #tpu.memory_space<vmem>>[vector<16xi32>], vector<16xf32>,
        %add3A_313 = arith.constant 32 : i32
        %add3A_314 = vector.broadcast %add3A_313 : i32 to vector<16xi32>
        %add3A_315 = arith.addi %and3A_276, %add3A_314 : vector<16xi32>
        %gather3A_316 = tpu.vector_load_idx %arg8[%add3A_315] : memref<64xf32, #tpu.memory_space<vmem>>[vector<16xi32>], vector<16xf32>,
        %mul3A_317 = arith.mulf %gather3A_312, %gather3A_316 : vector<16xf32>
        %mul3A_318 = arith.mulf %mul3A_317, %get3A_282 : vector<16xf32>
        %add3A_319 = arith.constant 40000 : i32
        %add3A_320 = vector.broadcast %add3A_319 : i32 to vector<16xi32>
        %add3A_321 = arith.addi %get3A_280, %add3A_320 : vector<16xi32>
        tpu.vector_store_idx %arg11[%add3A_321], %mul3A_318 {add = true} : memref<80000xf32, #tpu.memory_space<vmem>>[vector<16xi32>], vector<16xf32>,
        %add3A_322 = arith.constant 30000 : i32
        %add3A_323 = vector.broadcast %add3A_322 : i32 to vector<16xi32>
        %add3A_324 = arith.addi %and3A_270, %add3A_323 : vector<16xi32>
        %gather3A_325 = tpu.vector_load_idx %arg7[%add3A_324] : memref<40000xf32, #tpu.memory_space<vmem>>[vector<16xi32>], vector<16xf32>,
        %add3A_326 = arith.constant 48 : i32
        %add3A_327 = vector.broadcast %add3A_326 : i32 to vector<16xi32>
        %add3A_328 = arith.addi %and3A_276, %add3A_327 : vector<16xi32>
        %gather3A_329 = tpu.vector_load_idx %arg8[%add3A_328] : memref<64xf32, #tpu.memory_space<vmem>>[vector<16xi32>], vector<16xf32>,
        %mul3A_330 = arith.mulf %gather3A_325, %gather3A_329 : vector<16xf32>
        %mul3A_331 = arith.mulf %mul3A_330, %get3A_282 : vector<16xf32>
        %add3A_332 = arith.constant 60000 : i32
        %add3A_333 = vector.broadcast %add3A_332 : i32 to vector<16xi32>
        %add3A_334 = arith.addi %get3A_280, %add3A_333 : vector<16xi32>
        tpu.vector_store_idx %arg11[%add3A_334], %mul3A_331 {add = true} : memref<80000xf32, #tpu.memory_space<vmem>>[vector<16xi32>], vector<16xf32>,
      }
      %scan3A_37 = arith.constant 50 : i32
    }
    %scan3A_20 = arith.constant 100 : i32
    %mul3A_21 = arith.constant 4 : i32
    %mul3A_22 = arith.muli %add3A, %mul3A_21 : i32
    %mul3A_23 = arith.constant 20000 : i32
    %mul3A_24 = arith.muli %mul3A_22, %mul3A_23 : i32
    "tpu.region"() ({
      %run_scoped3A = tpu.sem_alloc : memref<!tpu.dma_semaphore, #tpu.memory_space<semaphore_mem>>
      %dma_start3A = tpu.memref_slice %arg6[%mul3A_24] : memref<2560000xf32, #tpu.memory_space<hbm>> -> memref<80000xf32, #tpu.memory_space<hbm>>
      %dma_start3A_25 = tpu.memref_slice %arg6[%mul3A_24] : memref<2560000xf32, #tpu.memory_space<hbm>> -> memref<80000xf32, #tpu.memory_space<hbm>>
      tpu.enqueue_dma source(%arg11 : memref<80000xf32, #tpu.memory_space<vmem>>) target(%dma_start3A_25 : memref<80000xf32, #tpu.memory_space<hbm>>) target_semaphore(%run_scoped3A : memref<!tpu.dma_semaphore, #tpu.memory_space<semaphore_mem>>)
      %dma_wait3A = tpu.memref_slice %arg6[%mul3A_24] : memref<2560000xf32, #tpu.memory_space<hbm>> -> memref<80000xf32, #tpu.memory_space<hbm>>
      %dma_wait3A_26 = tpu.memref_slice %arg6[%mul3A_24] : memref<2560000xf32, #tpu.memory_space<hbm>> -> memref<80000xf32, #tpu.memory_space<hbm>>
      tpu.wait_dma2 semaphore(%run_scoped3A : memref<!tpu.dma_semaphore, #tpu.memory_space<semaphore_mem>>) src(%arg11 : memref<80000xf32, #tpu.memory_space<vmem>>) dst(%dma_wait3A_26 : memref<80000xf32, #tpu.memory_space<hbm>>)
      tpu.yield
    }) : () -> ()
    return
  }
}

module attributes {stable_mosaic.version = 14 : i64} {
  func.func @_final_body(%arg0: i32, %arg1: memref<1000x128xf32, #tpu.memory_space<vmem>>, %arg2: memref<1000x128xf32, #tpu.memory_space<vmem>>, %arg3: memref<1000x128xf32, #tpu.memory_space<vmem>>, %arg4: memref<128x128xf32, #tpu.memory_space<vmem>>, %arg5: memref<128x128xf32, #tpu.memory_space<vmem>>, %arg6: memref<128x128xf32, #tpu.memory_space<vmem>>, %arg7: memref<1x128xf32, #tpu.memory_space<vmem>>, %arg8: memref<8x128xf32, #tpu.memory_space<vmem>>, %arg9: memref<128x128xf32, #tpu.memory_space<vmem>>, %arg10: memref<1000x128xf32, #tpu.memory_space<vmem>>, %arg11: memref<8x128xf32, #tpu.memory_space<vmem>>) attributes {dimension_semantics = [#tpu.dimension_semantics<arbitrary>], iteration_bounds = array<i64: 10>, scalar_prefetch = 0 : i64, scratch_operands = 0 : i64, tpu.core_type = #tpu.core_type<tc>, window_params = [{transform_indices = @transform_0, window_bounds = array<i64: 1000, 128>}, {transform_indices = @transform_1, window_bounds = array<i64: 1000, 128>}, {transform_indices = @transform_2, window_bounds = array<i64: 1000, 128>}, {pipeline_mode = #tpu.pipeline_mode<synchronous>, transform_indices = @transform_3, window_bounds = array<i64: 128, 128>}, {pipeline_mode = #tpu.pipeline_mode<synchronous>, transform_indices = @transform_4, window_bounds = array<i64: 128, 128>}, {pipeline_mode = #tpu.pipeline_mode<synchronous>, transform_indices = @transform_5, window_bounds = array<i64: 128, 128>}, {pipeline_mode = #tpu.pipeline_mode<synchronous>, transform_indices = @transform_6, window_bounds = array<i64: 1, 128>}, {pipeline_mode = #tpu.pipeline_mode<synchronous>, transform_indices = @transform_7, window_bounds = array<i64: 8, 128>}, {pipeline_mode = #tpu.pipeline_mode<synchronous>, transform_indices = @transform_8, window_bounds = array<i64: 128, 128>}, {transform_indices = @transform_9, window_bounds = array<i64: 1000, 128>}, {pipeline_mode = #tpu.pipeline_mode<synchronous>, transform_indices = @transform_10, window_bounds = array<i64: 8, 128>}]} {
    %get3A = arith.constant 0 : index
    %get3A_0 = arith.constant 0 : index
    %get3A_1 = vector.load %arg1[%get3A, %get3A_0] : memref<1000x128xf32, #tpu.memory_space<vmem>>, vector<1000x128xf32>
    %get3A_2 = arith.constant 0 : index
    %get3A_3 = arith.constant 0 : index
    %get3A_4 = vector.load %arg7[%get3A_2, %get3A_3] : memref<1x128xf32, #tpu.memory_space<vmem>>, vector<1x128xf32>
    %mul3A = vector.broadcast %get3A_4 : vector<1x128xf32> to vector<1000x128xf32>
    %mul3A_5 = arith.mulf %get3A_1, %mul3A : vector<1000x128xf32>
    %get3A_6 = arith.constant 0 : index
    %get3A_7 = arith.constant 0 : index
    %get3A_8 = vector.load %arg6[%get3A_6, %get3A_7] : memref<128x128xf32, #tpu.memory_space<vmem>>, vector<128x128xf32>
    %dot_general3A = arith.constant dense<0.000000e+00> : vector<1000x128xf32>
    %dot_general3A_9 = tpu.matmul %mul3A_5, %get3A_8, %dot_general3A {dimension_numbers = #tpu.dot_dimension_numbers<[1], [0], [0], [1], [0, 0, 1, 1], [], []>, transpose_lhs_hint = false} : vector<1000x128xf32>, vector<128x128xf32>, vector<1000x128xf32> -> vector<1000x128xf32>
    %get3A_10 = arith.constant 0 : index
    %get3A_11 = arith.constant 0 : index
    %get3A_12 = vector.load %arg2[%get3A_10, %get3A_11] : memref<1000x128xf32, #tpu.memory_space<vmem>>, vector<1000x128xf32>
    %get3A_13 = arith.constant 0 : index
    %get3A_14 = arith.constant 0 : index
    %get3A_15 = vector.load %arg4[%get3A_13, %get3A_14] : memref<128x128xf32, #tpu.memory_space<vmem>>, vector<128x128xf32>
    %dot_general3A_16 = arith.constant dense<0.000000e+00> : vector<1000x128xf32>
    %dot_general3A_17 = tpu.matmul %get3A_12, %get3A_15, %dot_general3A_16 {dimension_numbers = #tpu.dot_dimension_numbers<[1], [0], [0], [1], [0, 0, 1, 1], [], []>, transpose_lhs_hint = false} : vector<1000x128xf32>, vector<128x128xf32>, vector<1000x128xf32> -> vector<1000x128xf32>
    %add3A = arith.addf %dot_general3A_9, %dot_general3A_17 : vector<1000x128xf32>
    %get3A_18 = arith.constant 0 : index
    %get3A_19 = arith.constant 0 : index
    %get3A_20 = vector.load %arg3[%get3A_18, %get3A_19] : memref<1000x128xf32, #tpu.memory_space<vmem>>, vector<1000x128xf32>
    %get3A_21 = arith.constant 0 : index
    %get3A_22 = arith.constant 0 : index
    %get3A_23 = vector.load %arg5[%get3A_21, %get3A_22] : memref<128x128xf32, #tpu.memory_space<vmem>>, vector<128x128xf32>
    %dot_general3A_24 = arith.constant dense<0.000000e+00> : vector<1000x128xf32>
    %dot_general3A_25 = tpu.matmul %get3A_20, %get3A_23, %dot_general3A_24 {dimension_numbers = #tpu.dot_dimension_numbers<[1], [0], [0], [1], [0, 0, 1, 1], [], []>, transpose_lhs_hint = false} : vector<1000x128xf32>, vector<128x128xf32>, vector<1000x128xf32> -> vector<1000x128xf32>
    %add3A_26 = arith.addf %add3A, %dot_general3A_25 : vector<1000x128xf32>
    %mul3A_27 = arith.constant 0.333333343 : f32
    %mul3A_28 = vector.broadcast %mul3A_27 : f32 to vector<1000x128xf32>
    %mul3A_29 = arith.mulf %add3A_26, %mul3A_28 : vector<1000x128xf32>
    %tanh3A = math.tanh %mul3A_29 : vector<1000x128xf32>
    %swap3A = arith.constant 0 : index
    %swap3A_30 = arith.constant 0 : index
    %swap3A_31 = vector.load %arg10[%swap3A, %swap3A_30] : memref<1000x128xf32, #tpu.memory_space<vmem>>, vector<1000x128xf32>
    tpu.vector_store %arg10[%swap3A, %swap3A_30], %tanh3A {strides = array<i32>} : memref<1000x128xf32, #tpu.memory_space<vmem>>, vector<1000x128xf32>,
    %eq3A = arith.constant 0 : i32
    %eq3A_32 = arith.cmpi eq, %arg0, %eq3A : i32
    %convert_element_type3A = arith.extui %eq3A_32 : i1 to i32
    %cond3A = arith.constant 0 : i32
    %cond3A_33 = arith.cmpi ne, %convert_element_type3A, %cond3A : i32
    scf.if %cond3A_33 {
      %get3A_34 = arith.constant 0 : index
      %get3A_35 = arith.constant 0 : index
      %get3A_36 = vector.load %arg8[%get3A_34, %get3A_35] : memref<8x128xf32, #tpu.memory_space<vmem>>, vector<8x128xf32>
      %get3A_37 = arith.constant 0 : index
      %get3A_38 = arith.constant 0 : index
      %get3A_39 = vector.load %arg9[%get3A_37, %get3A_38] : memref<128x128xf32, #tpu.memory_space<vmem>>, vector<128x128xf32>
      %dot_general3A_40 = arith.constant dense<0.000000e+00> : vector<8x128xf32>
      %dot_general3A_41 = tpu.matmul %get3A_36, %get3A_39, %dot_general3A_40 {dimension_numbers = #tpu.dot_dimension_numbers<[1], [0], [0], [1], [0, 0, 1, 1], [], []>, transpose_lhs_hint = false} : vector<8x128xf32>, vector<128x128xf32>, vector<8x128xf32> -> vector<8x128xf32>
      %swap3A_42 = arith.constant 0 : index
      %swap3A_43 = arith.constant 0 : index
      %swap3A_44 = vector.load %arg11[%swap3A_42, %swap3A_43] : memref<8x128xf32, #tpu.memory_space<vmem>>, vector<8x128xf32>
      tpu.vector_store %arg11[%swap3A_42, %swap3A_43], %dot_general3A_41 {strides = array<i32>} : memref<8x128xf32, #tpu.memory_space<vmem>>, vector<8x128xf32>,
    } else {
    }
    return
  }
  func.func @transform_0(%arg0: i32) -> (i32, i32) {
    %c0_i32 = arith.constant 0 : i32
    %c0_i32_0 = arith.constant 0 : i32
    return %arg0, %c0_i32 : i32, i32
  }
  func.func @transform_1(%arg0: i32) -> (i32, i32) {
    %c0_i32 = arith.constant 0 : i32
    %c0_i32_0 = arith.constant 0 : i32
    return %arg0, %c0_i32 : i32, i32
  }
  func.func @transform_2(%arg0: i32) -> (i32, i32) {
    %add3A = arith.constant 10 : i32
    %add3A_0 = arith.addi %add3A, %arg0 : i32
    %c0_i32 = arith.constant 0 : i32
    %c0_i32_1 = arith.constant 0 : i32
    return %add3A_0, %c0_i32 : i32, i32
  }
  func.func @transform_3(%arg0: i32) -> (i32, i32) {
    %c0_i32 = arith.constant 0 : i32
    %c0_i32_0 = arith.constant 0 : i32
    %c0_i32_1 = arith.constant 0 : i32
    return %c0_i32, %c0_i32_0 : i32, i32
  }
  func.func @transform_4(%arg0: i32) -> (i32, i32) {
    %c0_i32 = arith.constant 0 : i32
    %c0_i32_0 = arith.constant 0 : i32
    %c0_i32_1 = arith.constant 0 : i32
    return %c0_i32, %c0_i32_0 : i32, i32
  }
  func.func @transform_5(%arg0: i32) -> (i32, i32) {
    %c0_i32 = arith.constant 0 : i32
    %c0_i32_0 = arith.constant 0 : i32
    %c0_i32_1 = arith.constant 0 : i32
    return %c0_i32, %c0_i32_0 : i32, i32
  }
  func.func @transform_6(%arg0: i32) -> (i32, i32) {
    %c0_i32 = arith.constant 0 : i32
    %c0_i32_0 = arith.constant 0 : i32
    %c0_i32_1 = arith.constant 0 : i32
    return %c0_i32, %c0_i32_0 : i32, i32
  }
  func.func @transform_7(%arg0: i32) -> (i32, i32) {
    %c0_i32 = arith.constant 0 : i32
    %c0_i32_0 = arith.constant 0 : i32
    %c0_i32_1 = arith.constant 0 : i32
    return %c0_i32, %c0_i32_0 : i32, i32
  }
  func.func @transform_8(%arg0: i32) -> (i32, i32) {
    %c0_i32 = arith.constant 0 : i32
    %c0_i32_0 = arith.constant 0 : i32
    %c0_i32_1 = arith.constant 0 : i32
    return %c0_i32, %c0_i32_0 : i32, i32
  }
  func.func @transform_9(%arg0: i32) -> (i32, i32) {
    %c0_i32 = arith.constant 0 : i32
    %c0_i32_0 = arith.constant 0 : i32
    return %arg0, %c0_i32 : i32, i32
  }
  func.func @transform_10(%arg0: i32) -> (i32, i32) {
    %c0_i32 = arith.constant 0 : i32
    %c0_i32_0 = arith.constant 0 : i32
    %c0_i32_1 = arith.constant 0 : i32
    return %c0_i32, %c0_i32_0 : i32, i32
  }
}

</mosaic_0001>

<sc_bundles>
// kernel: kernel.4.cloned.1.call-start
scs
__scs_entry_jumppad:
0x0: {  	(pc) =	sbr.rel $0x88, $3  }
0x1: {  	(tag) =	ssettag $0x0;
	lr =	simm.s32 $0x1  }
0x2: {  	[smem:$0x3F96] =	sst lr;
	_ =	strace $0xD0000000  }
0x3: {  	_ = 	snop  }
0x4: {  	_ = 	snop  }
0x5: {  	_ = 	snop  }
0x6: {  	_ = 	snop  }
0x7: {  	_ = 	snop  }
__scs_overlays_trampoline_lowered:
0x8: {  	[smem:$0x3FA5] =	sst s0  }
0x9: {  	[smem:$0x3FA6] =	sst s1  }
0xa: {  	[smem:$0x3FA7] =	sst s2  }
0xb: {  	[smem:$0x3FA8] =	sst s3  }
0xc: {  	[smem:$0x3FA9] =	sst s4  }
0xd: {  	[smem:$0x3FAA] =	sst s5  }
0xe: {  	[smem:$0x3FAB] =	sst s6  }
0xf: {  	[smem:$0x3FAC] =	sst s7  }
0x10: {  	[smem:$0x3FAD] =	sst s8  }
0x11: {  	[smem:$0x3FAE] =	sst s9;
	s0 =	simm.s32 @!p0 $0x0  }
0x12: {  	s1 =	sld [smem:$0x3F94];
	s0 =	simm.s32 @p0 $0x1  }
0x13: {  	[smem:$0x3FAF] =	sst s0;
	s0 =	simm.s32 @!p1 $0x0  }
0x14: {  	s2 =	sld [smem:$0x3F93];
	s0 =	simm.s32 @p1 $0x1  }
0x15: {  	[smem:$0x3FB0] =	sst s0;
	s0 =	simm.s32 @!p2 $0x0  }
0x16: {  	s3 =	sld [smem:$0x3FDB];
	s0 =	simm.s32 @p2 $0x1  }
0x17: {  	s4 =	simm.s32 $0x1BF5;
	[smem:$0x3FB2] =	sst s0  }
0x18: {  	s0 =	sld [smem:$0x3F95];
	_ =	swait.ge [sflag:s4], $0x0  }
0x19: {  	s7 =	sld [smem:$0x3F96]  }
0x1a: {  	s8 =	sadd.s32 $0xFFFFE003, lr  }
0x1b: {  	s9 =	sadd.s32 $0xFFFFFEF7, lr;
	s5 =	simm.s32 $0xFFFFFFFF;
	p2 =	slt.u32 s8, $0xFFFFF086  }
0x1c: {  	p1 =	slt.u32 s9, $0xF7A;
	s5 =	simm.s32 @!p2 $0x0  }
0x1d: {  	s5 =	simm.s32 @p1 $0x1;
	p0 =	seq.s32 s7, s2  }
0x1e: {  	s7 =	smul.u32 @!p0 $0xF7A, s2;
	p2 =	seq.s32 @!p0 s5, $0x0  }
0x1f: {  	s9 =	smul.u32 $0xF7A, s1;
	s8 =	simm.s32 @!p0 $0x1BF5;
	p2 =	por !p2, p0  }
0x20: {  	[sflag:s8] =	ssyncset.s32 @!p0 $0xFFFFF086;
	s6 =	sadd.s32 @!p0 s3, s7;
	s7 =	simm.s32 @!p0 $0x108  }
0x21: {  	s3 =	sadd.s32 s3, s9;
	s6 =	sadd.s32 @!p0 $0x88, s6;
	s7 =	simm.s32 @p2 $0x1082  }
0x22: {  	[simem:s7], [sflag:s8] =	dma.local @!p0 [hbm:s6], $0xF7A  }
0x23: {  	s9 =	sor.u32 $0xD0000000, s2;
	s6 =	simm.s32 $0x108;
	_ =	swait.ge @!p0 [sflag:s8], $0x0  }
0x24: {  	s3 =	sadd.s32 $0x88, s3;
	s6 =	simm.s32 @!p1 $0x1082;
	[sflag:s4] =	ssyncset.s32 $0xFFFFF086  }
0x25: {  	[simem:s6], [sflag:s4] =	dma.local [hbm:s3], $0xF7A  }
0x26: {  	[smem:$0x3F96] =	sst s1;
	(tag) =	ssettag s2;
	_ =	strace s9  }
0x27: {  	s1 =	sld [smem:$0x3FA6]  }
0x28: {  	s2 =	sld [smem:$0x3FA7]  }
0x29: {  	s4 =	sld [smem:$0x3FA9]  }
0x2a: {  	p0 =	seq.s32 s5, $0x0;
	s5 =	sld [smem:$0x3FAA]  }
0x2b: {  	s6 =	sld [smem:$0x3FAB]  }
0x2c: {  	s7 =	sld [smem:$0x3FAC]  }
0x2d: {  	s3 =	simm.s32 $0x108;
	s8 =	sld [smem:$0x3FAD]  }
0x2e: {  	s3 =	simm.s32 @!p0 $0x1082;
	s9 =	sld [smem:$0x3FAE]  }
0x2f: {  	lr =	sadd.s32 s0, s3;
	s0 =	sld [smem:$0x3FA5]  }
0x30: {  	s3 =	sld [smem:$0x3FA8]  }
0x31: {  	[smem:$0x3FB1] =	sst s10  }
0x32: {  	s10 =	sld [smem:$0x3FAF];
	_ =	sdelay $0x3  }
0x33: {  	p0 =	seq.s32 s10, $0x1;
	s10 =	sld [smem:$0x3FB1];
	_ =	sdelay $0x3  }
0x34: {  	[smem:$0x3FB1] =	sst s10  }
0x35: {  	s10 =	sld [smem:$0x3FB0];
	_ =	sdelay $0x3  }
0x36: {  	p1 =	seq.s32 s10, $0x1;
	s10 =	sld [smem:$0x3FB1];
	_ =	sdelay $0x3  }
0x37: {  	[smem:$0x3FB1] =	sst s10  }
0x38: {  	s10 =	sld [smem:$0x3FB2]  }
0x39: {  	_ = 	snop;
	(pc) =	sbr.ind lr, $3  }
0x3a: {  	_ = 	snop  }
0x3b: {  	_ = 	snop  }
0x3c: {  	p2 =	seq.s32 s10, $0x1;
	s10 =	sld [smem:$0x3FB1]  }
0x3d: {  	_ =	shalt  }
0x3e: {  	_ =	shalt  }
0x3f: {  	_ =	shalt  }
0x40: {  	_ =	shalt  }
0x41: {  	_ =	shalt  }
0x42: {  	_ =	shalt  }
0x43: {  	_ =	shalt  }
0x44: {  	_ =	shalt  }
0x45: {  	_ =	shalt  }
0x46: {  	_ =	shalt  }
0x47: {  	_ =	shalt  }
0x48: {  	_ =	shalt  }
0x49: {  	_ =	shalt  }
0x4a: {  	_ =	shalt  }
0x4b: {  	_ =	shalt  }
0x4c: {  	_ =	shalt  }
0x4d: {  	_ =	shalt  }
0x4e: {  	_ =	shalt  }
0x4f: {  	_ =	shalt  }
0x50: {  	_ =	shalt  }
0x51: {  	_ =	shalt  }
0x52: {  	_ =	shalt  }
0x53: {  	_ =	shalt  }
0x54: {  	_ =	shalt  }
0x55: {  	_ =	shalt  }
0x56: {  	_ =	shalt  }
0x57: {  	_ =	shalt  }
0x58: {  	_ =	shalt  }
0x59: {  	_ =	shalt  }
0x5a: {  	_ =	shalt  }
0x5b: {  	_ =	shalt  }
0x5c: {  	_ =	shalt  }
0x5d: {  	_ =	shalt  }
0x5e: {  	_ =	shalt  }
0x5f: {  	_ =	shalt  }
0x60: {  	_ =	shalt  }
0x61: {  	_ =	shalt  }
0x62: {  	_ =	shalt  }
0x63: {  	_ =	shalt  }
0x64: {  	_ =	shalt  }
0x65: {  	_ =	shalt  }
0x66: {  	_ =	shalt  }
0x67: {  	_ =	shalt  }
0x68: {  	_ =	shalt  }
0x69: {  	_ =	shalt  }
0x6a: {  	_ =	shalt  }
0x6b: {  	_ =	shalt  }
0x6c: {  	_ =	shalt  }
0x6d: {  	_ =	shalt  }
0x6e: {  	_ =	shalt  }
0x6f: {  	_ =	shalt  }
0x70: {  	_ =	shalt  }
0x71: {  	_ =	shalt  }
0x72: {  	_ =	shalt  }
0x73: {  	_ =	shalt  }
0x74: {  	_ =	shalt  }
0x75: {  	_ =	shalt  }
0x76: {  	_ =	shalt  }
0x77: {  	_ =	shalt  }
0x78: {  	_ =	shalt  }
0x79: {  	_ =	shalt  }
0x7a: {  	_ =	shalt  }
0x7b: {  	_ =	shalt  }
0x7c: {  	_ =	shalt  }
0x7d: {  	_ =	shalt  }
0x7e: {  	_ =	shalt  }
0x7f: {  	_ =	shalt  }
0x80: {  	_ =	shalt  }
0x81: {  	_ =	shalt  }
0x82: {  	_ =	shalt  }
0x83: {  	_ =	shalt  }
0x84: {  	_ =	shalt  }
0x85: {  	_ =	shalt  }
0x86: {  	_ =	shalt  }
0x87: {  	_ =	shalt  }
.Lfunc_end0:
.L_simem_size_0:
called_computation_lowered:
.L_overlay_start_0:
0x88: {  	s2 =	sld [smem:$0x3FD9]  }
0x89: {  	s3 =	sld [smem:$0x3FFE];
	_ =	sdelay $0x1  }
0x8a: {  	s1 =	srdreg.scid  }
0x8b: {  	s0 =	sand.u32 $0x1, s1  }
0x8c: {  	s14 =	sshll.u32 s0, $0xA;
	s2 =	sadd.s32 s3, s2  }
0x8d: {  	s2 =	sadd.s32 s2, s14  }
0x8e: {  	[smem:$0x3FBD] =	sst s2  }
0x8f: {  	_ = 	snop  }
0x90: {  	s2 =	sld [smem:$0x3FD0];
	_ =	sdelay $0x2  }
0x91: {  	s15 =	simm.s32 $0xA;
	s4 =	simm.s32 $0x10  }
0x92: {  	[smem:s4], [sflag:s15] =	dma.local [hbm:s2], $0x1  }
0x93: {  	_ =	swait.eq [sflag:s15], $0x1  }
0x94: {  	[sflag:s15] =	ssyncset.done $0x0  }
0x95: {  	[sflag:s15] =	ssyncadd.s32 $0xFFFFFFFF  }
0x96: {  	s16 =	sld [smem:$0x10];
	(tm) =	ssettm $0x1  }
0x97: {  	s17 =	sld [smem:$0x3FFB];
	_ =	sdelay $0x3  }
0x98: {  	_ =	strace s17  }
0x99: {  	s3 =	sld [smem:$0x3FFC];
	_ =	sdelay $0x3  }
0x9a: {  	_ =	strace s3  }
0x9b: {  	s3 =	sld [smem:$0x3FFD];
	_ =	sdelay $0x3  }
0x9c: {  	_ =	strace s3  }
0x9d: {  	_ =	strace $0x8FFFFFFF  }
0x9e: {  	s18 =	sld [smem:$0x3FDB];
	_ =	sdelay $0x1  }
0x9f: {  	s19 =	simm.s32 $_scs_section_size  }
0xa0: {  	s5 =	simm.s32 $_size__tile_overlayer_lowered;
	s6 =	simm.s32 $_tile_overlayer_lowered  }
0xa1: {  	s22 =	simm.s32 $0x1BFF;
	s21 =	sshll.u32 s6, $0x1;
	s3 =	sadd.s32 s19, s18  }
0xa2: {  	s7 =	simm.s32 $0x0;
	s20 =	sshll.u32 s5, $0x1;
	s5 =	sadd.s32 s21, s3  }
0xa3: {  	[timem:s7], [sflag:s22] =	dma.local [hbm:s5], s20  }
0xa4: {  	_ =	swait.ge [sflag:s22], s20  }
0xa5: {  	s4 =	ssub.s32 $0x0, s20;
	[sflag:s22] =	ssyncset.done $0x0  }
0xa6: {  	[sflag:s22] =	ssyncadd.s32 s4;
	_ =	sdelay $0x1  }
0xa7: {  	s23 =	simm.s32 $0x1B8B  }
0xa8: {  	_ =	swait.ge [sflag:s23], $0x1  }
0xa9: {  	[sflag:s23] =	ssyncset.done $0x0  }
0xaa: {  	s25 =	simm.s32 $0x1B8E;
	s24 =	sld [smem:$0x3FFE];
	[sflag:s23] =	ssyncadd.s32 $0xFFFFFFFF  }
0xab: {  	s26 =	simm.s32 $execute0_lowered;
	[smem:$0x3FD2] =	sst s25  }
0xac: {  	s5 =	sshll.u32 s26, $0x1;
	_ =	strace $0x80000046;
	[dreg:$0x1] =	wrdreg $0xFFFFFFFF  }
0xad: {  	s28 =	simm.s32 $_size_execute0_lowered;
	s3 =	sadd.s32 s3, s5;
	[dreg:$0x0] =	wrdreg $0x0  }
0xae: {  	s5 =	sshll.u32 s28, $0x1;
	[dreg:$0x2] =	wrdreg s3  }
0xaf: {  	[dreg:$0x3] =	wrdreg s5  }
0xb0: {  	[dreg:$0x4] =	wrdreg $0xC0  }
0xb1: {  	_ =	task [dreg:s7], $0x5FFFF  }
0xb2: {  	[dreg:$0x1] =	wrdreg $0xFFFFFFFF  }
0xb3: {  	[dreg:$0x0] =	wrdreg $0x60  }
0xb4: {  	[dreg:$0x2] =	wrdreg s16  }
0xb5: {  	[dreg:$0x3] =	wrdreg s24  }
0xb6: {  	[dreg:$0x4] =	wrdreg $0x9  }
0xb7: {  	_ =	task.clear_ibuf [dreg:s7], $0x5FFFF;
	_ =	strace $0x90000046  }
0xb8: {  	s29 =	simm.s32 $0x9;
	_ =	strace $0x80000048  }
0xb9: {  	_ =	swait.ge [sflag:s29], $0x1  }
0xba: {  	[sflag:s29] =	ssyncadd.s32 $0xFFFFFFFF  }
0xbb: {  	_ =	strace $0x90000048  }
0xbc: {  	_ =	sfence  }
0xbd: {  	s30 =	sld [smem:$0x0];
	_ =	sdelay $0x2  }
0xbe: {  	s31 =	sshll.u32 s1, $0xD;
	s1 =	sshrl.u32 s1, $0x2  }
0xbf: {  	s3 =	sand.u32 $0x4000, s31;
	s1 =	sadd.s32 s1, s30  }
0xc0: {  	s0 =	sor.u32 s3, s0;
	s1 =	sshll.u32 s1, $0x11  }
0xc1: {  	s0 =	sor.u32 s1, s0  }
0xc2: {  	s0 =	sadd.s32 $0x8F2B, s0  }
0xc3: {  	[sflag:s0] =	ssyncadd.remote.s32 $0x1  }
0xc4: {  	_ =	sfence.sel $0xFFFF  }
0xc5: {  	[dreg:$0x0] =	wrdreg $0xFFFFFFFF;
	(pc) =	sbr.abs _section_cstart, $3  }
0xc6: {  	[dreg:$0x1] =	wrdreg $0xFFFFFFFF  }
0xc7: {  	_ =	task.clear_ibuf [dreg:s7], $0x2FFFF;
	_ =	strace $0x9FFFFFFF  }
0xc8: {  	(tm) =	ssettm $0x7FFFFFFF  }
0xc9: {  	_ =	shalt  }
tec
execute0_lowered:
.L_overlay_start_1:
0x0: {  	(tag) =	ssettag $0x1  }
0x1: {  	s5 =	rddreg [dreg:$0x0]  }
0x2: {  	s6 =	rddreg [dreg:$0x1];
	s1 =	srdreg.scid  }
0x3: {  	s0 =	rddreg [dreg:$0x2];
	s2 =	simm.s32 $0x0;
	s12 =	simm.s32 $0xC280  }
0x4: {  	s13 =	simm.s32 $0x0;
	s3 =	sand.u32 $0x1, s1;
	[smem:$0x7FF] =	sst s2  }
0x5: {  	s1 =	stileid.u32;
	s4 =	sshll.u32 s3, $0x4;
	_ =	strace $0x80000047  }
0x6: {  	s9 =	ssub.s32 $0x2, s3;
	s3 =	sadd.s32 $0x1200, s6;
	s4 =	sor.u32 s1, s4  }
0x7: {  	s10 =	sshrl.u32 s9, $0x1;
	s7 =	sshll.u32 s4, $0x3;
	s8 =	smul.u32 $0x2710, s4  }
0x8: {  	s11 =	smul.u32 $0x1388, s4;
	s4 =	sadd.s32 $0x14E00, s6;
	s9 =	ssub.s32 s9, s10  }
0x9: {  	s10 =	simm.s32 $0x9C80;
	s7 =	sadd.s32 s7, s6;
	s8 =	sadd.s32 s8, s6  }
0xa: {  	s5 =	sadd.s32 s5, s11;
	s6 =	sadd.s32 $0x14C00, s7;
	s11 =	simm.s32 $0xB600  }
0xb: {  	v0 =	vimm.f32 $0.0e+00;
	s7 =	sadd.s32 $0x1EC00, s8;
	s8 =	smax.u32 s9, $0x1;
	s9 =	simm.s32 $0x1  }
.LBB2_1:
0xc: {  	[tilespmem:s2], [sflag:$0x1] =	stream.linear.gather [hbm4b:s5+s2], $0x9C40, $0x38;
	[tilespmem:$0x1FB00] =	vst v63  }
0xd: {  	_ =	swait.ge [sflag:s9], $0x9C40  }
0xe: {  	[sflag:s9] =	ssyncset.done $0x0  }
0xf: {  	[sflag:s9] =	ssyncadd.s32 $0xFFFF63C0  }
0x10: {  	[tilespmem:s10], [sflag:$0x1] =	stream.linear.gather [hbm4b:s6+s2], $0x40, $0x38;
	[tilespmem:$0x1FB00] =	vst v63  }
0x11: {  	_ =	swait.ge [sflag:s9], $0x40  }
0x12: {  	[sflag:s9] =	ssyncset.done $0x0  }
0x13: {  	s14 =	simm.s32 $0x40;
	s15 =	simm.s32 $0x0;
	[sflag:s9] =	ssyncadd.s32 $0xFFFFFFC0  }
.LBB2_2:
0x14: {  	p0 =	sne.s32 s14, $0x4E1C0;
	[tilespmem:s15+$0xC280] =	vst v0;
	s15 =	smov.u32 s14;
	s14 =	sadd.s32 $0x40, s14  }
.Ltmp0:
0x15: {  	(pc) =	sbr.rel @p0 .LBB2_2-.Ltmp0, $2  }
0x16: {  	_ =	sdelay $0x2  }
0x17: {  	s15 =	sshra.s32 s15, $0x2  }
0x18: {  	[tilespmem:s15+$0xC280] =	vst v0;
	s14 =	simm.s32 $0x0;
	s15 =	simm.s32 $0x0  }
.LBB2_4:
0x19: {  	s16 =	smul.u32 $0x320, s15;
	_ =	sdelay $0x1  }
0x1a: {  	s17 =	sadd.s32 s3, s16;
	s16 =	simm.s32 $0x9D00  }
0x1b: {  	[tilespmem:s16], [sflag:$0x1] =	stream.linear.gather [hbm4b:s17+s14], $0x1900, $0x38;
	[tilespmem:$0x1FB00] =	vst v63  }
0x1c: {  	s31 =	smul.u32 $0x190, s15;
	_ =	swait.ge [sflag:s9], $0x1900  }
0x1d: {  	[sflag:s9] =	ssyncset.done $0x0  }
0x1e: {  	s17 =	sadd.s32 s4, s31;
	[sflag:s9] =	ssyncadd.s32 $0xFFFFE700  }
0x1f: {  	[tilespmem:s11], [sflag:$0x1] =	stream.linear.gather [hbm4b:s17+s14], $0xC80, $0x38;
	[tilespmem:$0x1FB00] =	vst v63  }
0x20: {  	_ =	swait.ge [sflag:s9], $0xC80  }
0x21: {  	[sflag:s9] =	ssyncset.done $0x0  }
0x22: {  	s18 =	simm.s32 $0x0;
	s17 =	simm.s32 $0xB620;
	[sflag:s9] =	ssyncadd.s32 $0xFFFFF380  }
.LBB2_5:
0x23: {  	v1 =	vld [tilespmem:s16+$0x0];
	_ =	sdelay $0x4  }
0x24: {  	v2 =	vand.u32 $0x3FFF, v1;
	v1 =	vshrl.u32 v1, $0xE  }
0x25: {  	v1 =	vand.u32 $0xF, v1;
	_ =	sdelay $0x3  }
0x26: {  	v3 =	vld.idx.msk [tilespmem:v2+s2+$0x0], $0xffff  }
0x27: {  	s19 =	sand.u32 $0xFC0, s18;
	v4 =	vld.idx.msk [tilespmem:v1+s10+$0x0], $0xffff  }
0x28: {  	v5 =	vld [tilespmem:s19+$0xA980]  }
0x29: {  	v6 =	vld [tilespmem:s17+$0xFFFFFFE0];
	_ =	sdelay $0x2  }
0x2a: {  	v25 =	vadd.s32 $0x2710, v2;
	v3 =	vmul.f32 v4, v3  }
0x2b: {  	v7 =	vor.u32 $0x10, v1  }
0x2c: {  	v3 =	vmul.f32 v3, v6;
	_ =	sdelay $0x1  }
0x2d: {  	[tilespmem:v5+s12+$0x0] =	vst.idx.add.f32.msk $0xffff, v3  }
0x2e: {  	v3 =	vld.idx.msk [tilespmem:v25+s2+$0x0], $0xffff  }
0x2f: {  	v26 =	vld.idx.msk [tilespmem:v7+s10+$0x0], $0xffff;
	_ =	sdelay $0x3  }
0x30: {  	v27 =	vadd.s32 $0x4E20, v5  }
0x31: {  	v28 =	vadd.s32 $0x4E20, v2;
	v3 =	vmul.f32 v26, v3  }
0x32: {  	v8 =	vor.u32 $0x20, v1  }
0x33: {  	v3 =	vmul.f32 v3, v6;
	_ =	sdelay $0x1  }
0x34: {  	[tilespmem:v27+s12+$0x0] =	vst.idx.add.f32.msk $0xffff, v3  }
0x35: {  	v3 =	vld.idx.msk [tilespmem:v28+s2+$0x0], $0xffff  }
0x36: {  	v29 =	vld.idx.msk [tilespmem:v8+s10+$0x0], $0xffff;
	_ =	sdelay $0x3  }
0x37: {  	v30 =	vadd.s32 $0x9C40, v5  }
0x38: {  	v2 =	vadd.s32 $0x7530, v2;
	v3 =	vmul.f32 v29, v3  }
0x39: {  	v1 =	vor.u32 $0x30, v1  }
0x3a: {  	v3 =	vmul.f32 v3, v6;
	_ =	sdelay $0x1  }
0x3b: {  	[tilespmem:v30+s12+$0x0] =	vst.idx.add.f32.msk $0xffff, v3  }
0x3c: {  	v2 =	vld.idx.msk [tilespmem:v2+s2+$0x0], $0xffff  }
0x3d: {  	v1 =	vld.idx.msk [tilespmem:v1+s10+$0x0], $0xffff;
	_ =	sdelay $0x3  }
0x3e: {  	v3 =	vadd.s32 $0xEA60, v5  }
0x3f: {  	v1 =	vmul.f32 v1, v2;
	_ =	sdelay $0x1  }
0x40: {  	v1 =	vmul.f32 v1, v6;
	_ =	sdelay $0x1  }
0x41: {  	[tilespmem:v3+s12+$0x0] =	vst.idx.add.f32.msk $0xffff, v1  }
0x42: {  	v1 =	vld [tilespmem:s16+$0x10];
	_ =	sdelay $0x4  }
0x43: {  	v2 =	vand.u32 $0x3FFF, v1;
	v1 =	vshrl.u32 v1, $0xE  }
0x44: {  	v1 =	vand.u32 $0xF, v1;
	_ =	sdelay $0x3  }
0x45: {  	v3 =	vld.idx.msk [tilespmem:v2+s2+$0x0], $0xffff  }
0x46: {  	v31 =	vld.idx.msk [tilespmem:v1+s10+$0x0], $0xffff  }
0x47: {  	v32 =	vld [tilespmem:s16+$0xC90]  }
0x48: {  	v33 =	vld [tilespmem:s17+$0xFFFFFFF0];
	_ =	sdelay $0x2  }
0x49: {  	v34 =	vadd.s32 $0x2710, v2;
	v3 =	vmul.f32 v31, v3  }
0x4a: {  	v35 =	vor.u32 $0x10, v1  }
0x4b: {  	v3 =	vmul.f32 v3, v33;
	_ =	sdelay $0x1  }
0x4c: {  	[tilespmem:v32+s12+$0x0] =	vst.idx.add.f32.msk $0xffff, v3  }
0x4d: {  	v3 =	vld.idx.msk [tilespmem:v34+s2+$0x0], $0xffff  }
0x4e: {  	v36 =	vld.idx.msk [tilespmem:v35+s10+$0x0], $0xffff;
	_ =	sdelay $0x3  }
0x4f: {  	v37 =	vadd.s32 $0x4E20, v32  }
0x50: {  	v38 =	vadd.s32 $0x4E20, v2;
	v3 =	vmul.f32 v36, v3  }
0x51: {  	v39 =	vor.u32 $0x20, v1  }
0x52: {  	v3 =	vmul.f32 v3, v33;
	_ =	sdelay $0x1  }
0x53: {  	[tilespmem:v37+s12+$0x0] =	vst.idx.add.f32.msk $0xffff, v3  }
0x54: {  	v3 =	vld.idx.msk [tilespmem:v38+s2+$0x0], $0xffff  }
0x55: {  	v40 =	vld.idx.msk [tilespmem:v39+s10+$0x0], $0xffff;
	_ =	sdelay $0x3  }
0x56: {  	v41 =	vadd.s32 $0x9C40, v32  }
0x57: {  	v2 =	vadd.s32 $0x7530, v2;
	v3 =	vmul.f32 v40, v3  }
0x58: {  	v1 =	vor.u32 $0x30, v1  }
0x59: {  	v3 =	vmul.f32 v3, v33;
	_ =	sdelay $0x1  }
0x5a: {  	[tilespmem:v41+s12+$0x0] =	vst.idx.add.f32.msk $0xffff, v3  }
0x5b: {  	v2 =	vld.idx.msk [tilespmem:v2+s2+$0x0], $0xffff  }
0x5c: {  	v1 =	vld.idx.msk [tilespmem:v1+s10+$0x0], $0xffff;
	_ =	sdelay $0x3  }
0x5d: {  	v3 =	vadd.s32 $0xEA60, v32  }
0x5e: {  	v1 =	vmul.f32 v1, v2;
	_ =	sdelay $0x1  }
0x5f: {  	v1 =	vmul.f32 v1, v33;
	_ =	sdelay $0x1  }
0x60: {  	[tilespmem:v3+s12+$0x0] =	vst.idx.add.f32.msk $0xffff, v1  }
0x61: {  	v1 =	vld [tilespmem:s16+$0x20];
	_ =	sdelay $0x4  }
0x62: {  	v2 =	vand.u32 $0x3FFF, v1;
	v1 =	vshrl.u32 v1, $0xE  }
0x63: {  	v1 =	vand.u32 $0xF, v1;
	_ =	sdelay $0x3  }
0x64: {  	v3 =	vld.idx.msk [tilespmem:v2+s2+$0x0], $0xffff  }
0x65: {  	v42 =	vld.idx.msk [tilespmem:v1+s10+$0x0], $0xffff  }
0x66: {  	v43 =	vld [tilespmem:s16+$0xCA0]  }
0x67: {  	v44 =	vld [tilespmem:s17+$0x0];
	_ =	sdelay $0x2  }
0x68: {  	v45 =	vadd.s32 $0x2710, v2;
	v3 =	vmul.f32 v42, v3  }
0x69: {  	v46 =	vor.u32 $0x10, v1  }
0x6a: {  	v3 =	vmul.f32 v3, v44;
	_ =	sdelay $0x1  }
0x6b: {  	[tilespmem:v43+s12+$0x0] =	vst.idx.add.f32.msk $0xffff, v3  }
0x6c: {  	v3 =	vld.idx.msk [tilespmem:v45+s2+$0x0], $0xffff  }
0x6d: {  	v47 =	vld.idx.msk [tilespmem:v46+s10+$0x0], $0xffff;
	_ =	sdelay $0x3  }
0x6e: {  	v48 =	vadd.s32 $0x4E20, v43  }
0x6f: {  	v49 =	vadd.s32 $0x4E20, v2;
	v3 =	vmul.f32 v47, v3  }
0x70: {  	v50 =	vor.u32 $0x20, v1  }
0x71: {  	v3 =	vmul.f32 v3, v44;
	_ =	sdelay $0x1  }
0x72: {  	[tilespmem:v48+s12+$0x0] =	vst.idx.add.f32.msk $0xffff, v3  }
0x73: {  	v3 =	vld.idx.msk [tilespmem:v49+s2+$0x0], $0xffff  }
0x74: {  	v51 =	vld.idx.msk [tilespmem:v50+s10+$0x0], $0xffff;
	_ =	sdelay $0x3  }
0x75: {  	v52 =	vadd.s32 $0x9C40, v43  }
0x76: {  	v2 =	vadd.s32 $0x7530, v2;
	v3 =	vmul.f32 v51, v3  }
0x77: {  	v1 =	vor.u32 $0x30, v1  }
0x78: {  	v3 =	vmul.f32 v3, v44;
	_ =	sdelay $0x1  }
0x79: {  	[tilespmem:v52+s12+$0x0] =	vst.idx.add.f32.msk $0xffff, v3  }
0x7a: {  	v2 =	vld.idx.msk [tilespmem:v2+s2+$0x0], $0xffff  }
0x7b: {  	v1 =	vld.idx.msk [tilespmem:v1+s10+$0x0], $0xffff;
	_ =	sdelay $0x3  }
0x7c: {  	v3 =	vadd.s32 $0xEA60, v43  }
0x7d: {  	v1 =	vmul.f32 v1, v2;
	_ =	sdelay $0x1  }
0x7e: {  	v1 =	vmul.f32 v1, v44;
	_ =	sdelay $0x1  }
0x7f: {  	[tilespmem:v3+s12+$0x0] =	vst.idx.add.f32.msk $0xffff, v1  }
0x80: {  	v1 =	vld [tilespmem:s16+$0x30];
	_ =	sdelay $0x4  }
0x81: {  	v2 =	vand.u32 $0x3FFF, v1;
	v1 =	vshrl.u32 v1, $0xE  }
0x82: {  	v1 =	vand.u32 $0xF, v1;
	_ =	sdelay $0x3  }
0x83: {  	v3 =	vld.idx.msk [tilespmem:v2+s2+$0x0], $0xffff  }
0x84: {  	v53 =	vld.idx.msk [tilespmem:v1+s10+$0x0], $0xffff  }
0x85: {  	v54 =	vld [tilespmem:s16+$0xCB0]  }
0x86: {  	v55 =	vld [tilespmem:s17+$0x10];
	_ =	sdelay $0x2  }
0x87: {  	v56 =	vadd.s32 $0x2710, v2;
	v3 =	vmul.f32 v53, v3  }
0x88: {  	v57 =	vor.u32 $0x10, v1  }
0x89: {  	v3 =	vmul.f32 v3, v55;
	_ =	sdelay $0x1  }
0x8a: {  	[tilespmem:v54+s12+$0x0] =	vst.idx.add.f32.msk $0xffff, v3  }
0x8b: {  	v3 =	vld.idx.msk [tilespmem:v56+s2+$0x0], $0xffff  }
0x8c: {  	v58 =	vld.idx.msk [tilespmem:v57+s10+$0x0], $0xffff;
	_ =	sdelay $0x3  }
0x8d: {  	v59 =	vadd.s32 $0x4E20, v54  }
0x8e: {  	v60 =	vadd.s32 $0x4E20, v2;
	v3 =	vmul.f32 v58, v3  }
0x8f: {  	v61 =	vor.u32 $0x20, v1  }
0x90: {  	v3 =	vmul.f32 v3, v55;
	_ =	sdelay $0x1  }
0x91: {  	[tilespmem:v59+s12+$0x0] =	vst.idx.add.f32.msk $0xffff, v3  }
0x92: {  	v3 =	vld.idx.msk [tilespmem:v60+s2+$0x0], $0xffff  }
0x93: {  	v62 =	vld.idx.msk [tilespmem:v61+s10+$0x0], $0xffff;
	_ =	sdelay $0x3  }
0x94: {  	v63 =	vadd.s32 $0x9C40, v54  }
0x95: {  	v2 =	vadd.s32 $0x7530, v2;
	v3 =	vmul.f32 v62, v3  }
0x96: {  	v1 =	vor.u32 $0x30, v1  }
0x97: {  	v3 =	vmul.f32 v3, v55;
	_ =	sdelay $0x1  }
0x98: {  	[tilespmem:v63+s12+$0x0] =	vst.idx.add.f32.msk $0xffff, v3  }
0x99: {  	v2 =	vld.idx.msk [tilespmem:v2+s2+$0x0], $0xffff  }
0x9a: {  	v1 =	vld.idx.msk [tilespmem:v1+s10+$0x0], $0xffff;
	_ =	sdelay $0x3  }
0x9b: {  	p0 =	sne.s32 s18, $0xC40;
	v3 =	vadd.s32 $0xEA60, v54  }
.Ltmp1:
0x9c: {  	v1 =	vmul.f32 v1, v2;
	(pc) =	sbr.rel @p0 .LBB2_5-.Ltmp1, $3  }
0x9d: {  	_ = 	snop  }
0x9e: {  	v1 =	vmul.f32 v1, v55;
	_ =	sdelay $0x1  }
0x9f: {  	s18 =	sadd.s32 $0x40, s18;
	s16 =	sadd.s32 $0x40, s16;
	s17 =	sadd.s32 $0x40, s17;
	[tilespmem:v3+s12+$0x0] =	vst.idx.add.f32.msk $0xffff, v1  }
0xa0: {  	s15 =	sadd.s32 $0x1, s15  }
0xa1: {  	p0 =	sne.s32 s15, $0x64  }
.Ltmp2:
0xa2: {  	_ = 	snop;
	(pc) =	sbr.rel @p0 .LBB2_4-.Ltmp2, $1  }
0xa3: {  	_ =	sdelay $0x3  }
0xa4: {  	s13 =	sadd.s32 $0x1, s13  }
0xa5: {  	p0 =	sne.s32 s13, s8  }
.Ltmp3:
0xa6: {  	_ = 	snop;
	(pc) =	sbr.rel @p0 .LBB2_1-.Ltmp3, $4  }
0xa7: {  	[hbm4b:s7+s2] =	stream.linear.scatter [tilespmem:s12], [sflag:$0x1], $0x13880, $0x38;
	[tilespmem:$0x1FB00] =	vst v63  }
0xa8: {  	_ =	swait.ge [sflag:s9], $0x13880  }
0xa9: {  	[sflag:s9] =	ssyncset.done $0x0  }
0xaa: {  	[sflag:s9] =	ssyncadd.s32 $0xFFFEC780  }
0xab: {  	_ =	sfence.sel $0x180000  }
0xac: {  	[bflag:$0x0] =	sbarrier.arrive $0xFFFF  }
0xad: {  	p0 =	sne.s32 s1, $0x0;
	_ =	strace $0x90000047  }
0xae: {  	s0 =	sadd.s32 @!p0 $0x100000, s0;
	[bflag:$0x2] =	sbarrier.arrive $0xFFFF  }
0xaf: {  	[sflag:s0] =	ssyncadd.tile.s32 @!p0 $0x1;
	_ =	shalt  }
.Lfunc_end2:
_tile_overlayer_lowered:
.L_overlay_start_2:
0xb0: {  	(tag) =	ssettag $0x2  }
0xb1: {  	s0 =	rddreg [dreg:$0x0];
	s2 =	stileid.u32  }
0xb2: {  	s1 =	rddreg [dreg:$0x1];
	p0 =	sne.s32 s2, $0x0  }
0xb3: {  	s3 =	rddreg [dreg:$0x2];
	[bflag:$0x3] =	sbarrier.arrive $0xFFFF;
	s2 =	simm.s32 @!p0 $0x1C01  }
0xb4: {  	[timem:s3], [sflag:s2] =	dma.local @!p0 [hbm:s0], s1  }
0xb5: {  	s0 =	simm.s32 @!p0 $0x1  }
0xb6: {  	_ =	swait.ge @!p0 [sflag:s0], s1  }
0xb7: {  	s1 =	ssub.s32 @!p0 $0x0, s1;
	[sflag:s0] =	ssyncset.done @!p0 $0x0  }
0xb8: {  	[sflag:s0] =	ssyncadd.s32 @!p0 s1  }
0xb9: {  	[bflag:$0x3] =	sbarrier.arrive $0xFFFF  }
0xba: {  	_ =	shalt  }

</sc_bundles>
